<compile_context>
chip_gen: v7x
topology: tpu7x:2x2x1
jax: 0.10.2.dev20260603
libtpu: 0.0.44.dev20260713+nightly
codegen_flags: <defaults>
</compile_context>

<pallas_src>
import dataclasses
import functools

import jax
import jax.numpy as jnp
from jax import lax
from jax.experimental import pallas as pl
from jax.experimental.pallas import tpu as pltpu
from jax.experimental.pallas import tpu_sc as plsc

N = 10000
E = 320000
D = 128
NP = 10240

NC = 2
NS = 16
NW = NC * NS
EW = E // NW
C = 80
G = 25
NBLK = EW // (G * C)
HR = NP // D


def _sc_segsum_body(y_hbm, src_hbm, dst_hbm, out_hbm,
                    srcb, dstb, rows0, rows1, acc_sh, semA, semB):
    cid = lax.axis_index("c")
    sid = lax.axis_index("s")
    wid = sid * NC + cid

    zrow = jnp.zeros((16,), jnp.float32)

    @pl.loop(0, C)
    def _(i):
        @pl.loop(0, D // 16)
        def _(j):
            rows0[i, pl.ds(j * 16, 16)] = zrow

    @pl.loop(sid, N // C, step=NS)
    def _(k):
        pltpu.sync_copy(rows0, acc_sh.at[pl.ds(k * C, C)])

    plsc.subcore_barrier()

    def gather(i, buf, sem):
        return pltpu.async_copy(y_hbm.at[srcb.at[i]], buf, sem)

    def gwait(i, buf, sem):
        pltpu.make_async_copy(y_hbm.at[srcb.at[i]], buf, sem).wait()

    def scat(i, buf):
        pltpu.sync_copy(buf, acc_sh.at[dstb.at[i]], add=True)

    @pl.loop(0, NBLK)
    def _(b):
        pltpu.sync_copy(src_hbm.at[wid, b], srcb)
        pltpu.sync_copy(dst_hbm.at[wid, b], dstb)
        gather(0, rows0, semA)

        @pl.loop(0, G - 1, step=2)
        def _(j):
            gather(j + 1, rows1, semB)
            gwait(j, rows0, semA)
            scat(j, rows0)
            gather(j + 2, rows0, semA)
            gwait(j + 1, rows1, semB)
            scat(j + 1, rows1)

        gwait(G - 1, rows0, semA)
        scat(G - 1, rows0)

    plsc.subcore_barrier()

    @pl.loop(sid, N // C, step=NS)
    def _(k):
        pltpu.sync_copy(acc_sh.at[pl.ds(k * C, C)],
                        out_hbm.at[cid, pl.ds(k * C, C)])


@functools.cache
def _make_sc_segsum():
    mesh = plsc.VectorSubcoreMesh(core_axis_name="c", subcore_axis_name="s")
    cp = pltpu.CompilerParams()
    if "needs_layout_passes" in pltpu.CompilerParams.__dataclass_fields__:
        cp = dataclasses.replace(cp, needs_layout_passes=False)
    return pl.kernel(
        _sc_segsum_body,
        compiler_params=cp,
        out_type=jax.ShapeDtypeStruct((NC, NP, D), jnp.float32),
        mesh=mesh,
        scratch_types=[
            pltpu.VMEM((G, C), jnp.int32),
            pltpu.VMEM((G, C), jnp.int32),
            pltpu.VMEM((C, D), jnp.float32),
            pltpu.VMEM((C, D), jnp.float32),
            pltpu.VMEM_SHARED((N, D), jnp.float32),
            pltpu.SemaphoreType.DMA,
            pltpu.SemaphoreType.DMA,
        ],
    )


def _sc_deg_body(dst_hbm, out_hbm, dstb, hist, idb, acc_sh):
    cid = lax.axis_index("c")
    sid = lax.axis_index("s")
    wid = sid * NC + cid

    zrow = jnp.zeros((16,), jnp.float32)
    ones = jnp.ones((16,), jnp.float32)
    iota = lax.iota(jnp.int32, 16)

    @pl.loop(0, HR)
    def _(i):
        @pl.loop(0, D // 16)
        def _(j):
            hist[i, pl.ds(j * 16, 16)] = zrow

    @pl.loop(0, HR // 16)
    def _(k):
        idb[0, pl.ds(k * 16, 16)] = iota + k * 16

    @pl.loop(sid, HR // 8, step=NS)
    def _(k):
        pltpu.sync_copy(hist.at[pl.ds(0, 8)], acc_sh.at[pl.ds(k * 8, 8)])

    pltpu.sync_copy(dst_hbm.at[wid], dstb)

    plsc.subcore_barrier()

    @pl.loop(0, EW // 16)
    def _(j):
        v = dstb[j]
        hi = lax.shift_right_logical(v, 7)
        lo = lax.bitwise_and(v, 127)
        plsc.addupdate_scatter(hist, [hi, lo], ones)

    pltpu.sync_copy(hist, acc_sh.at[idb.at[0]], add=True)

    plsc.subcore_barrier()

    @pl.loop(sid, HR // 8, step=NS)
    def _(k):
        pltpu.sync_copy(acc_sh.at[pl.ds(k * 8, 8)],
                        out_hbm.at[cid, pl.ds(k * 8, 8)])


@functools.cache
def _make_sc_deg():
    mesh = plsc.VectorSubcoreMesh(core_axis_name="c", subcore_axis_name="s")
    cp = pltpu.CompilerParams()
    if "needs_layout_passes" in pltpu.CompilerParams.__dataclass_fields__:
        cp = dataclasses.replace(cp, needs_layout_passes=False)
    return pl.kernel(
        _sc_deg_body,
        compiler_params=cp,
        out_type=jax.ShapeDtypeStruct((NC, HR, D), jnp.float32),
        mesh=mesh,
        scratch_types=[
            pltpu.VMEM((EW // 16, 16), jnp.int32),
            pltpu.VMEM((HR, D), jnp.float32),
            pltpu.VMEM((1, HR), jnp.int32),
            pltpu.VMEM_SHARED((HR, D), jnp.float32),
        ],
    )



ROWS_BLK = 1024


def _mm_body(x_ref, w_ref, o_ref):
    o_ref[...] = jnp.dot(x_ref[...], w_ref[...],
                         preferred_element_type=jnp.float32)


def _tc_matmul(x, w):
    return pl.pallas_call(
        _mm_body,
        grid=(NP // ROWS_BLK,),
        in_specs=[
            pl.BlockSpec((ROWS_BLK, D), lambda i: (i, 0)),
            pl.BlockSpec((D, D), lambda i: (0, 0)),
        ],
        out_specs=pl.BlockSpec((ROWS_BLK, D), lambda i: (i, 0)),
        out_shape=jax.ShapeDtypeStruct((NP, D), jnp.float32),
    )(x, w)


def _fuse1_body(s_ref, degp_ref, y_ref, b_ref, g_ref, be_ref, w_ref, o_ref):
    s = s_ref[0] + s_ref[1] + y_ref[...]
    deg = degp_ref[0] + degp_ref[1]
    h = s / (deg + 1.0) + b_ref[...]
    mean = jnp.mean(h, axis=-1, keepdims=True)
    var = jnp.mean((h - mean) ** 2, axis=-1, keepdims=True)
    h = (h - mean) * lax.rsqrt(var + 1e-5) * g_ref[...] + be_ref[...]
    h = jnp.maximum(h, 0.0)
    o_ref[...] = jnp.dot(h, w_ref[...], preferred_element_type=jnp.float32)


def _tc_fuse1(s0, degp, y0, b0, gamma0, beta0, W1):
    return pl.pallas_call(
        _fuse1_body,
        grid=(NP // ROWS_BLK,),
        in_specs=[
            pl.BlockSpec((NC, ROWS_BLK, D), lambda i: (0, i, 0)),
            pl.BlockSpec((NC, ROWS_BLK, 1), lambda i: (0, i, 0)),
            pl.BlockSpec((ROWS_BLK, D), lambda i: (i, 0)),
            pl.BlockSpec((1, D), lambda i: (0, 0)),
            pl.BlockSpec((1, D), lambda i: (0, 0)),
            pl.BlockSpec((1, D), lambda i: (0, 0)),
            pl.BlockSpec((D, D), lambda i: (0, 0)),
        ],
        out_specs=pl.BlockSpec((ROWS_BLK, D), lambda i: (i, 0)),
        out_shape=jax.ShapeDtypeStruct((NP, D), jnp.float32),
    )(s0, degp, y0, b0.reshape(1, D), gamma0.reshape(1, D),
      beta0.reshape(1, D), W1)


def _fuse2_body(s_ref, degp_ref, y_ref, b_ref, o_ref):
    s = s_ref[0] + s_ref[1] + y_ref[...]
    deg = degp_ref[0] + degp_ref[1]
    o_ref[...] = s / (deg + 1.0) + b_ref[...]


def _tc_fuse2(s1, degp, y1, b1):
    return pl.pallas_call(
        _fuse2_body,
        grid=(NP // ROWS_BLK,),
        in_specs=[
            pl.BlockSpec((NC, ROWS_BLK, D), lambda i: (0, i, 0)),
            pl.BlockSpec((NC, ROWS_BLK, 1), lambda i: (0, i, 0)),
            pl.BlockSpec((ROWS_BLK, D), lambda i: (i, 0)),
            pl.BlockSpec((1, D), lambda i: (0, 0)),
        ],
        out_specs=pl.BlockSpec((ROWS_BLK, D), lambda i: (i, 0)),
        out_shape=jax.ShapeDtypeStruct((NP, D), jnp.float32),
    )(s1, degp, y1, b1.reshape(1, D))


def kernel(feats, edge_index, W0, b0, gamma0, beta0, W1, b1):
    src = edge_index[0].reshape(NW, NBLK, G, C)
    dst = edge_index[1].reshape(NW, NBLK, G, C)
    dst16 = edge_index[1].reshape(NW, EW // 16, 16)
    featsp = jnp.concatenate(
        [feats, jnp.zeros((NP - N, D), jnp.float32)], axis=0)

    degp = _make_sc_deg()(dst16)
    degp = degp.reshape(NC, NP, 1)
    y0 = _tc_matmul(featsp, W0)
    s0 = _make_sc_segsum()(y0, src, dst)
    y1 = _tc_fuse1(s0, degp, y0, b0, gamma0, beta0, W1)
    s1 = _make_sc_segsum()(y1, src, dst)
    return _tc_fuse2(s1, degp, y1, b1)[:N]

# --- scband reference (transcript-rebuilt; emitter-appended) ---
"""Pipeline reference for scband-sage-62715112456383 (READ-ONLY COPY).

The authoritative reference and input builder live on the scoring server;
editing this copy changes nothing except your own understanding.
"""

import jax, jax.numpy as jnp
import numpy as np

N = 10000
E = 320000
D_IN = 128
D_HID = 128
D_OUT = 128


def setup_inputs(seed: int = 0) -> dict:
    key = jax.random.key(seed)
    ks = jax.random.split(key, 8)
    feats = jax.random.normal(ks[0], (N, D_IN), dtype=jnp.float32)
    edge_index = jax.random.randint(ks[1], (2, E), 0, N, dtype=jnp.int32)
    W0 = jax.random.normal(ks[2], (D_IN, D_HID), dtype=jnp.float32) * 0.05
    b0 = jnp.zeros((D_HID,), dtype=jnp.float32)
    gamma0 = jnp.ones((D_HID,), dtype=jnp.float32)
    beta0 = jnp.zeros((D_HID,), dtype=jnp.float32)
    W1 = jax.random.normal(ks[3], (D_HID, D_OUT), dtype=jnp.float32) * 0.05
    b1 = jnp.zeros((D_OUT,), dtype=jnp.float32)
    return {"feats": feats, "edge_index": edge_index, "W0": W0, "b0": b0,
            "gamma0": gamma0, "beta0": beta0, "W1": W1, "b1": b1}


def _sage_gcn_conv(x, src, dst, W, b):
    # DGL SAGEConv with aggregator_type='gcn':
    # h_neigh = (sum_{j in N(i)} x_j + x_i) / (deg_i + 1); out = h_neigh @ W_neigh + b
    msg = jnp.take(x, src, axis=0)
    agg = jax.ops.segment_sum(msg, dst, num_segments=N)
    deg = jax.ops.segment_sum(jnp.ones((src.shape[0],), dtype=x.dtype), dst, num_segments=N)
    h = (agg + x) / (deg[:, None] + 1.0)
    return h @ W + b


def _layernorm(h, gamma, beta, eps=1e-5):
    mean = jnp.mean(h, axis=-1, keepdims=True)
    var = jnp.var(h, axis=-1, keepdims=True)
    return (h - mean) / jnp.sqrt(var + eps) * gamma + beta


def reference(feats, edge_index, W0, b0, gamma0, beta0, W1, b1):
    src = edge_index[0]
    dst = edge_index[1]
    # input_drop and dropout are 0.0 -> identity (eval-mode faithful)
    h = _sage_gcn_conv(feats, src, dst, W0, b0)
    h = _layernorm(h, gamma0, beta0)
    h = jax.nn.relu(h)
    h = _sage_gcn_conv(h, src, dst, W1, b1)
    return h

if __name__ == "__main__":
    import jax
    _d = setup_inputs()
    print(jax.jit(kernel)(*tuple(_d.values())))

</pallas_src>

<mosaic_0001>
#map = affine_map<(d0, d1) -> (0, 0, 0)>
module attributes {stable_mosaic.version = 14 : i64} {
  func.func @_sc_deg_body(%arg0: i32, %arg1: i32, %arg2: memref<32x625x16xi32, #tpu.memory_space<hbm>>, %arg3: memref<2x80x128xf32, #tpu.memory_space<hbm>>, %arg4: memref<625x16xi32, #tpu.memory_space<vmem>>, %arg5: memref<80x128xf32, #tpu.memory_space<vmem>>, %arg6: memref<1x80xi32, #tpu.memory_space<vmem>>, %arg7: memref<80x128xf32, #tpu.memory_space<vmem_shared>>) attributes {dimension_semantics = [#tpu.dimension_semantics<core_parallel>, #tpu.dimension_semantics<subcore_parallel>], iteration_bounds = array<i64: 2, 16>, scalar_prefetch = 0 : i64, scratch_operands = 4 : i64, tpu.core_type = #tpu.core_type<sc_vector_subcore>, window_params = [{transform_indices = #map}, {transform_indices = #map}]} {
    %mul3A = arith.constant 2 : i32
    %mul3A_0 = arith.muli %arg1, %mul3A : i32
    %add3A = arith.addi %mul3A_0, %arg0 : i32
    %broadcast_in_dim3A = arith.constant 0.000000e+00 : f32
    %broadcast_in_dim3A_1 = vector.broadcast %broadcast_in_dim3A : f32 to vector<16xf32>
    %broadcast_in_dim3A_2 = arith.constant 1.000000e+00 : f32
    %broadcast_in_dim3A_3 = vector.broadcast %broadcast_in_dim3A_2 : f32 to vector<16xf32>
    %iota3A = tpu.iota {dimensions = array<i32: 0>} : vector<16xi32>
    %scan3A = arith.constant 0 : i32
    %scan3A_4 = arith.constant 80 : i32
    %scan3A_5 = arith.addi %scan3A, %scan3A_4 : i32
    %scan3A_6 = arith.constant 1 : i32
    scf.for %scan3A_52 = %scan3A to %scan3A_5 step %scan3A_6  : i32 {
      %mul3A_53 = arith.constant 1 : i32
      %mul3A_54 = arith.muli %scan3A_52, %mul3A_53 : i32
      %add3A_55 = arith.constant 0 : i32
      %add3A_56 = arith.addi %add3A_55, %mul3A_54 : i32
      %scan3A_57 = arith.constant 0 : i32
      %scan3A_58 = arith.constant 8 : i32
      %scan3A_59 = arith.addi %scan3A_57, %scan3A_58 : i32
      %scan3A_60 = arith.constant 1 : i32
      scf.for %scan3A_62 = %scan3A_57 to %scan3A_59 step %scan3A_60  : i32 {
        %mul3A_63 = arith.constant 1 : i32
        %mul3A_64 = arith.muli %scan3A_62, %mul3A_63 : i32
        %add3A_65 = arith.constant 0 : i32
        %add3A_66 = arith.addi %add3A_65, %mul3A_64 : i32
        %mul3A_67 = arith.constant 16 : i32
        %mul3A_68 = arith.muli %add3A_66, %mul3A_67 : i32
        %swap3A = arith.index_cast %add3A_56 : i32 to index
        %swap3A_69 = arith.index_cast %mul3A_68 : i32 to index
        %swap3A_70 = tpu.vector_load %arg5[%swap3A, %swap3A_69] {strides = array<i32>} : memref<80x128xf32, #tpu.memory_space<vmem>>, vector<16xf32>,
        tpu.vector_store %arg5[%swap3A, %swap3A_69], %broadcast_in_dim3A_1 {strides = array<i32>} : memref<80x128xf32, #tpu.memory_space<vmem>>, vector<16xf32>,
      }
      %scan3A_61 = arith.constant 8 : i32
    }
    %scan3A_7 = arith.constant 80 : i32
    %scan3A_8 = arith.constant 0 : i32
    %scan3A_9 = arith.constant 5 : i32
    %scan3A_10 = arith.addi %scan3A_8, %scan3A_9 : i32
    %scan3A_11 = arith.constant 1 : i32
    scf.for %scan3A_52 = %scan3A_8 to %scan3A_10 step %scan3A_11  : i32 {
      %mul3A_53 = arith.constant 1 : i32
      %mul3A_54 = arith.muli %scan3A_52, %mul3A_53 : i32
      %add3A_55 = arith.constant 0 : i32
      %add3A_56 = arith.addi %add3A_55, %mul3A_54 : i32
      %mul3A_57 = arith.constant 16 : i32
      %mul3A_58 = arith.muli %add3A_56, %mul3A_57 : i32
      %add3A_59 = vector.broadcast %mul3A_58 : i32 to vector<16xi32>
      %add3A_60 = arith.addi %iota3A, %add3A_59 : vector<16xi32>
      %mul3A_61 = arith.constant 16 : i32
      %mul3A_62 = arith.muli %add3A_56, %mul3A_61 : i32
      %swap3A = arith.constant 0 : i32
      %swap3A_63 = arith.index_cast %swap3A : i32 to index
      %swap3A_64 = arith.index_cast %mul3A_62 : i32 to index
      %swap3A_65 = tpu.vector_load %arg6[%swap3A_63, %swap3A_64] {strides = array<i32>} : memref<1x80xi32, #tpu.memory_space<vmem>>, vector<16xi32>,
      tpu.vector_store %arg6[%swap3A_63, %swap3A_64], %add3A_60 {strides = array<i32>} : memref<1x80xi32, #tpu.memory_space<vmem>>, vector<16xi32>,
    }
    %scan3A_12 = arith.constant 5 : i32
    %sub3A = arith.constant 10 : i32
    %sub3A_13 = arith.subi %sub3A, %arg1 : i32
    %sub3A_14 = arith.constant 16 : i32
    %sub3A_15 = arith.constant 1 : i32
    %sub3A_16 = arith.subi %sub3A_14, %sub3A_15 : i32
    %add3A_17 = arith.addi %sub3A_13, %sub3A_16 : i32
    %div3A = arith.constant 16 : i32
    %div3A_18 = arith.divsi %add3A_17, %div3A : i32
    %while3A = arith.constant 16 : i32
    %while3A_19 = arith.constant 0 : i32
    %while3A_20 = arith.subi %div3A_18, %while3A_19 : i32
    %while3A_21 = arith.addi %while3A_19, %while3A_20 : i32
    %while3A_22 = arith.constant 1 : i32
    %while3A_23 = arith.divsi %while3A_20, %while3A_22 : i32
    %while3A_24 = arith.muli %while3A_23, %while3A_22 : i32
    %while3A_25 = arith.addi %while3A_19, %while3A_24 : i32
    %while3A_26 = arith.constant 1 : i32
    scf.for %while3A_52 = %while3A_19 to %while3A_25 step %while3A_26  : i32 {
      %mul3A_53 = arith.muli %while3A_52, %while3A : i32
      %add3A_54 = arith.addi %arg1, %mul3A_53 : i32
      %mul3A_55 = arith.constant 8 : i32
      %mul3A_56 = arith.muli %add3A_54, %mul3A_55 : i32
      "tpu.region"() ({
        %run_scoped3A_57 = tpu.sem_alloc : memref<!tpu.dma_semaphore, #tpu.memory_space<semaphore_mem>>
        %dma_start3A = arith.constant 0 : i32
        %dma_start3A_58 = arith.constant 0 : i32
        %dma_start3A_59 = tpu.memref_slice %arg5[%dma_start3A, %dma_start3A_58] : memref<80x128xf32, #tpu.memory_space<vmem>> -> memref<8x128xf32, #tpu.memory_space<vmem>>
        %dma_start3A_60 = arith.constant 0 : i32
        %dma_start3A_61 = tpu.memref_slice %arg7[%mul3A_56, %dma_start3A_60] : memref<80x128xf32, #tpu.memory_space<vmem_shared>> -> memref<8x128xf32, #tpu.memory_space<vmem_shared>>
        %dma_start3A_62 = arith.constant 0 : i32
        %dma_start3A_63 = tpu.memref_slice %arg7[%mul3A_56, %dma_start3A_62] : memref<80x128xf32, #tpu.memory_space<vmem_shared>> -> memref<8x128xf32, #tpu.memory_space<vmem_shared>>
        %dma_start3A_64 = arith.constant 0 : i32
        %dma_start3A_65 = arith.constant 0 : i32
        %dma_start3A_66 = tpu.memref_slice %arg5[%dma_start3A_64, %dma_start3A_65] : memref<80x128xf32, #tpu.memory_space<vmem>> -> memref<8x128xf32, #tpu.memory_space<vmem>>
        tpu.enqueue_dma source(%dma_start3A_66 : memref<8x128xf32, #tpu.memory_space<vmem>>) target(%dma_start3A_63 : memref<8x128xf32, #tpu.memory_space<vmem_shared>>) target_semaphore(%run_scoped3A_57 : memref<!tpu.dma_semaphore, #tpu.memory_space<semaphore_mem>>)
        %dma_wait3A = arith.constant 0 : i32
        %dma_wait3A_67 = arith.constant 0 : i32
        %dma_wait3A_68 = tpu.memref_slice %arg5[%dma_wait3A, %dma_wait3A_67] : memref<80x128xf32, #tpu.memory_space<vmem>> -> memref<8x128xf32, #tpu.memory_space<vmem>>
        %dma_wait3A_69 = arith.constant 0 : i32
        %dma_wait3A_70 = tpu.memref_slice %arg7[%mul3A_56, %dma_wait3A_69] : memref<80x128xf32, #tpu.memory_space<vmem_shared>> -> memref<8x128xf32, #tpu.memory_space<vmem_shared>>
        %dma_wait3A_71 = arith.constant 0 : i32
        %dma_wait3A_72 = tpu.memref_slice %arg7[%mul3A_56, %dma_wait3A_71] : memref<80x128xf32, #tpu.memory_space<vmem_shared>> -> memref<8x128xf32, #tpu.memory_space<vmem_shared>>
        %dma_wait3A_73 = arith.constant 0 : i32
        %dma_wait3A_74 = arith.constant 0 : i32
        %dma_wait3A_75 = tpu.memref_slice %arg5[%dma_wait3A_73, %dma_wait3A_74] : memref<80x128xf32, #tpu.memory_space<vmem>> -> memref<8x128xf32, #tpu.memory_space<vmem>>
        tpu.wait_dma2 semaphore(%run_scoped3A_57 : memref<!tpu.dma_semaphore, #tpu.memory_space<semaphore_mem>>) src(%dma_wait3A_75 : memref<8x128xf32, #tpu.memory_space<vmem>>) dst(%dma_wait3A_72 : memref<8x128xf32, #tpu.memory_space<vmem_shared>>)
        tpu.yield
      }) : () -> ()
    }
    %while3A_27 = arith.constant 1 : i32
    scf.for %while3A_52 = %while3A_25 to %while3A_21 step %while3A_27  : i32 {
      %mul3A_53 = arith.muli %while3A_52, %while3A : i32
      %add3A_54 = arith.addi %arg1, %mul3A_53 : i32
      %mul3A_55 = arith.constant 8 : i32
      %mul3A_56 = arith.muli %add3A_54, %mul3A_55 : i32
      "tpu.region"() ({
        %run_scoped3A_57 = tpu.sem_alloc : memref<!tpu.dma_semaphore, #tpu.memory_space<semaphore_mem>>
        %dma_start3A = arith.constant 0 : i32
        %dma_start3A_58 = arith.constant 0 : i32
        %dma_start3A_59 = tpu.memref_slice %arg5[%dma_start3A, %dma_start3A_58] : memref<80x128xf32, #tpu.memory_space<vmem>> -> memref<8x128xf32, #tpu.memory_space<vmem>>
        %dma_start3A_60 = arith.constant 0 : i32
        %dma_start3A_61 = tpu.memref_slice %arg7[%mul3A_56, %dma_start3A_60] : memref<80x128xf32, #tpu.memory_space<vmem_shared>> -> memref<8x128xf32, #tpu.memory_space<vmem_shared>>
        %dma_start3A_62 = arith.constant 0 : i32
        %dma_start3A_63 = tpu.memref_slice %arg7[%mul3A_56, %dma_start3A_62] : memref<80x128xf32, #tpu.memory_space<vmem_shared>> -> memref<8x128xf32, #tpu.memory_space<vmem_shared>>
        %dma_start3A_64 = arith.constant 0 : i32
        %dma_start3A_65 = arith.constant 0 : i32
        %dma_start3A_66 = tpu.memref_slice %arg5[%dma_start3A_64, %dma_start3A_65] : memref<80x128xf32, #tpu.memory_space<vmem>> -> memref<8x128xf32, #tpu.memory_space<vmem>>
        tpu.enqueue_dma source(%dma_start3A_66 : memref<8x128xf32, #tpu.memory_space<vmem>>) target(%dma_start3A_63 : memref<8x128xf32, #tpu.memory_space<vmem_shared>>) target_semaphore(%run_scoped3A_57 : memref<!tpu.dma_semaphore, #tpu.memory_space<semaphore_mem>>)
        %dma_wait3A = arith.constant 0 : i32
        %dma_wait3A_67 = arith.constant 0 : i32
        %dma_wait3A_68 = tpu.memref_slice %arg5[%dma_wait3A, %dma_wait3A_67] : memref<80x128xf32, #tpu.memory_space<vmem>> -> memref<8x128xf32, #tpu.memory_space<vmem>>
        %dma_wait3A_69 = arith.constant 0 : i32
        %dma_wait3A_70 = tpu.memref_slice %arg7[%mul3A_56, %dma_wait3A_69] : memref<80x128xf32, #tpu.memory_space<vmem_shared>> -> memref<8x128xf32, #tpu.memory_space<vmem_shared>>
        %dma_wait3A_71 = arith.constant 0 : i32
        %dma_wait3A_72 = tpu.memref_slice %arg7[%mul3A_56, %dma_wait3A_71] : memref<80x128xf32, #tpu.memory_space<vmem_shared>> -> memref<8x128xf32, #tpu.memory_space<vmem_shared>>
        %dma_wait3A_73 = arith.constant 0 : i32
        %dma_wait3A_74 = arith.constant 0 : i32
        %dma_wait3A_75 = tpu.memref_slice %arg5[%dma_wait3A_73, %dma_wait3A_74] : memref<80x128xf32, #tpu.memory_space<vmem>> -> memref<8x128xf32, #tpu.memory_space<vmem>>
        tpu.wait_dma2 semaphore(%run_scoped3A_57 : memref<!tpu.dma_semaphore, #tpu.memory_space<semaphore_mem>>) src(%dma_wait3A_75 : memref<8x128xf32, #tpu.memory_space<vmem>>) dst(%dma_wait3A_72 : memref<8x128xf32, #tpu.memory_space<vmem_shared>>)
        tpu.yield
      }) : () -> ()
    }
    "tpu.region"() ({
      %run_scoped3A_52 = tpu.sem_alloc : memref<!tpu.dma_semaphore, #tpu.memory_space<semaphore_mem>>
      %dma_start3A = arith.constant 0 : i32
      %dma_start3A_53 = arith.constant 0 : i32
      %dma_start3A_54 = tpu.memref_slice %arg2[%add3A, %dma_start3A, %dma_start3A_53] : memref<32x625x16xi32, #tpu.memory_space<hbm>> -> memref<1x625x16xi32, #tpu.memory_space<hbm>>
      %dma_start3A_55 = tpu.memref_squeeze %dma_start3A_54 : memref<1x625x16xi32, #tpu.memory_space<hbm>> -> memref<625x16xi32, #tpu.memory_space<hbm>>
      %dma_start3A_56 = arith.constant 0 : i32
      %dma_start3A_57 = arith.constant 0 : i32
      %dma_start3A_58 = tpu.memref_slice %arg2[%add3A, %dma_start3A_56, %dma_start3A_57] : memref<32x625x16xi32, #tpu.memory_space<hbm>> -> memref<1x625x16xi32, #tpu.memory_space<hbm>>
      %dma_start3A_59 = tpu.memref_squeeze %dma_start3A_58 : memref<1x625x16xi32, #tpu.memory_space<hbm>> -> memref<625x16xi32, #tpu.memory_space<hbm>>
      tpu.enqueue_dma source(%dma_start3A_59 : memref<625x16xi32, #tpu.memory_space<hbm>>) target(%arg4 : memref<625x16xi32, #tpu.memory_space<vmem>>) target_semaphore(%run_scoped3A_52 : memref<!tpu.dma_semaphore, #tpu.memory_space<semaphore_mem>>)
      %dma_wait3A = arith.constant 0 : i32
      %dma_wait3A_60 = arith.constant 0 : i32
      %dma_wait3A_61 = tpu.memref_slice %arg2[%add3A, %dma_wait3A, %dma_wait3A_60] : memref<32x625x16xi32, #tpu.memory_space<hbm>> -> memref<1x625x16xi32, #tpu.memory_space<hbm>>
      %dma_wait3A_62 = tpu.memref_squeeze %dma_wait3A_61 : memref<1x625x16xi32, #tpu.memory_space<hbm>> -> memref<625x16xi32, #tpu.memory_space<hbm>>
      %dma_wait3A_63 = arith.constant 0 : i32
      %dma_wait3A_64 = arith.constant 0 : i32
      %dma_wait3A_65 = tpu.memref_slice %arg2[%add3A, %dma_wait3A_63, %dma_wait3A_64] : memref<32x625x16xi32, #tpu.memory_space<hbm>> -> memref<1x625x16xi32, #tpu.memory_space<hbm>>
      %dma_wait3A_66 = tpu.memref_squeeze %dma_wait3A_65 : memref<1x625x16xi32, #tpu.memory_space<hbm>> -> memref<625x16xi32, #tpu.memory_space<hbm>>
      tpu.wait_dma2 semaphore(%run_scoped3A_52 : memref<!tpu.dma_semaphore, #tpu.memory_space<semaphore_mem>>) src(%dma_wait3A_66 : memref<625x16xi32, #tpu.memory_space<hbm>>) dst(%arg4 : memref<625x16xi32, #tpu.memory_space<vmem>>)
      tpu.yield
    }) : () -> ()
    %barrier3A = arith.constant 0 : index
    tpu.barrier barrier_id(%barrier3A)
    %scan3A_28 = arith.constant 0 : i32
    %scan3A_29 = arith.constant 625 : i32
    %scan3A_30 = arith.addi %scan3A_28, %scan3A_29 : i32
    %scan3A_31 = arith.constant 1 : i32
    scf.for %scan3A_52 = %scan3A_28 to %scan3A_30 step %scan3A_31  : i32 {
      %mul3A_53 = arith.constant 1 : i32
      %mul3A_54 = arith.muli %scan3A_52, %mul3A_53 : i32
      %add3A_55 = arith.constant 0 : i32
      %add3A_56 = arith.addi %add3A_55, %mul3A_54 : i32
      %get3A = arith.index_cast %add3A_56 : i32 to index
      %get3A_57 = arith.constant 0 : index
      %get3A_58 = tpu.vector_load %arg4[%get3A, %get3A_57] {strides = array<i32>} : memref<625x16xi32, #tpu.memory_space<vmem>>, vector<16xi32>,
      %shift_right_logical3A = arith.constant 7 : i32
      %shift_right_logical3A_59 = vector.broadcast %shift_right_logical3A : i32 to vector<16xi32>
      %shift_right_logical3A_60 = arith.shrui %get3A_58, %shift_right_logical3A_59 : vector<16xi32>
      %and3A = arith.constant 127 : i32
      %and3A_61 = vector.broadcast %and3A : i32 to vector<16xi32>
      %and3A_62 = arith.andi %get3A_58, %and3A_61 : vector<16xi32>
      tpu.vector_store_idx %arg5[%shift_right_logical3A_60, %and3A_62], %broadcast_in_dim3A_3 {add = true} : memref<80x128xf32, #tpu.memory_space<vmem>>[vector<16xi32>, vector<16xi32>], vector<16xf32>,
    }
    %scan3A_32 = arith.constant 625 : i32
    %run_scoped3A = arith.constant 0 : i32
    "tpu.region"() ({
      %run_scoped3A_52 = tpu.sem_alloc : memref<!tpu.dma_semaphore, #tpu.memory_space<semaphore_mem>>
      %dma_start3A = arith.constant 0 : i32
      %dma_start3A_53 = tpu.memref_slice %arg6[%run_scoped3A, %dma_start3A] : memref<1x80xi32, #tpu.memory_space<vmem>> -> memref<1x80xi32, #tpu.memory_space<vmem>>
      %dma_start3A_54 = tpu.memref_squeeze %dma_start3A_53 : memref<1x80xi32, #tpu.memory_space<vmem>> -> memref<80xi32, #tpu.memory_space<vmem>>
      %dma_start3A_55 = arith.constant 0 : i32
      %dma_start3A_56 = arith.constant 0 : i32
      %dma_start3A_57 = tpu.memref_slice %arg7[%dma_start3A_55, %dma_start3A_56] : memref<80x128xf32, #tpu.memory_space<vmem_shared>> -> memref<80x128xf32, #tpu.memory_space<vmem_shared>>
      tpu.enqueue_indirect_dma source(%arg5 : memref<80x128xf32, #tpu.memory_space<vmem>>) target(%dma_start3A_57 : memref<80x128xf32, #tpu.memory_space<vmem_shared>>) offsets(%dma_start3A_54 : memref<80xi32, #tpu.memory_space<vmem>>) semaphore(%run_scoped3A_52 : memref<!tpu.dma_semaphore, #tpu.memory_space<semaphore_mem>>) {add = true}
      %dma_wait3A = arith.constant 0 : i32
      %dma_wait3A_58 = tpu.memref_slice %arg6[%run_scoped3A, %dma_wait3A] : memref<1x80xi32, #tpu.memory_space<vmem>> -> memref<1x80xi32, #tpu.memory_space<vmem>>
      %dma_wait3A_59 = tpu.memref_squeeze %dma_wait3A_58 : memref<1x80xi32, #tpu.memory_space<vmem>> -> memref<80xi32, #tpu.memory_space<vmem>>
      %dma_wait3A_60 = arith.constant 0 : i32
      %dma_wait3A_61 = arith.constant 0 : i32
      %dma_wait3A_62 = tpu.memref_slice %arg7[%dma_wait3A_60, %dma_wait3A_61] : memref<80x128xf32, #tpu.memory_space<vmem_shared>> -> memref<80x128xf32, #tpu.memory_space<vmem_shared>>
      tpu.wait_indirect_dma semaphore(%run_scoped3A_52 : memref<!tpu.dma_semaphore, #tpu.memory_space<semaphore_mem>>) src(%arg5 : memref<80x128xf32, #tpu.memory_space<vmem>>) dst(%dma_wait3A_62 : memref<80x128xf32, #tpu.memory_space<vmem_shared>>)
      tpu.yield
    }) : () -> ()
    %barrier3A_33 = arith.constant 0 : index
    tpu.barrier barrier_id(%barrier3A_33)
    %sub3A_34 = arith.constant 10 : i32
    %sub3A_35 = arith.subi %sub3A_34, %arg1 : i32
    %sub3A_36 = arith.constant 16 : i32
    %sub3A_37 = arith.constant 1 : i32
    %sub3A_38 = arith.subi %sub3A_36, %sub3A_37 : i32
    %add3A_39 = arith.addi %sub3A_35, %sub3A_38 : i32
    %div3A_40 = arith.constant 16 : i32
    %div3A_41 = arith.divsi %add3A_39, %div3A_40 : i32
    %while3A_42 = arith.constant 16 : i32
    %while3A_43 = arith.constant 0 : i32
    %while3A_44 = arith.subi %div3A_41, %while3A_43 : i32
    %while3A_45 = arith.addi %while3A_43, %while3A_44 : i32
    %while3A_46 = arith.constant 1 : i32
    %while3A_47 = arith.divsi %while3A_44, %while3A_46 : i32
    %while3A_48 = arith.muli %while3A_47, %while3A_46 : i32
    %while3A_49 = arith.addi %while3A_43, %while3A_48 : i32
    %while3A_50 = arith.constant 1 : i32
    scf.for %while3A_52 = %while3A_43 to %while3A_49 step %while3A_50  : i32 {
      %mul3A_53 = arith.muli %while3A_52, %while3A_42 : i32
      %add3A_54 = arith.addi %arg1, %mul3A_53 : i32
      %mul3A_55 = arith.constant 8 : i32
      %mul3A_56 = arith.muli %add3A_54, %mul3A_55 : i32
      %mul3A_57 = arith.constant 8 : i32
      %mul3A_58 = arith.muli %add3A_54, %mul3A_57 : i32
      "tpu.region"() ({
        %run_scoped3A_59 = tpu.sem_alloc : memref<!tpu.dma_semaphore, #tpu.memory_space<semaphore_mem>>
        %dma_start3A = arith.constant 0 : i32
        %dma_start3A_60 = tpu.memref_slice %arg3[%arg0, %mul3A_58, %dma_start3A] : memref<2x80x128xf32, #tpu.memory_space<hbm>> -> memref<1x8x128xf32, #tpu.memory_space<hbm>>
        %dma_start3A_61 = tpu.memref_squeeze %dma_start3A_60 : memref<1x8x128xf32, #tpu.memory_space<hbm>> -> memref<8x128xf32, #tpu.memory_space<hbm>>
        %dma_start3A_62 = arith.constant 0 : i32
        %dma_start3A_63 = tpu.memref_slice %arg7[%mul3A_56, %dma_start3A_62] : memref<80x128xf32, #tpu.memory_space<vmem_shared>> -> memref<8x128xf32, #tpu.memory_space<vmem_shared>>
        tpu.enqueue_dma source(%dma_start3A_63 : memref<8x128xf32, #tpu.memory_space<vmem_shared>>) target(%dma_start3A_61 : memref<8x128xf32, #tpu.memory_space<hbm>>) target_semaphore(%run_scoped3A_59 : memref<!tpu.dma_semaphore, #tpu.memory_space<semaphore_mem>>)
        %dma_wait3A = arith.constant 0 : i32
        %dma_wait3A_64 = tpu.memref_slice %arg3[%arg0, %mul3A_58, %dma_wait3A] : memref<2x80x128xf32, #tpu.memory_space<hbm>> -> memref<1x8x128xf32, #tpu.memory_space<hbm>>
        %dma_wait3A_65 = tpu.memref_squeeze %dma_wait3A_64 : memref<1x8x128xf32, #tpu.memory_space<hbm>> -> memref<8x128xf32, #tpu.memory_space<hbm>>
        %dma_wait3A_66 = arith.constant 0 : i32
        %dma_wait3A_67 = tpu.memref_slice %arg7[%mul3A_56, %dma_wait3A_66] : memref<80x128xf32, #tpu.memory_space<vmem_shared>> -> memref<8x128xf32, #tpu.memory_space<vmem_shared>>
        tpu.wait_dma2 semaphore(%run_scoped3A_59 : memref<!tpu.dma_semaphore, #tpu.memory_space<semaphore_mem>>) src(%dma_wait3A_67 : memref<8x128xf32, #tpu.memory_space<vmem_shared>>) dst(%dma_wait3A_65 : memref<8x128xf32, #tpu.memory_space<hbm>>)
        tpu.yield
      }) : () -> ()
    }
    %while3A_51 = arith.constant 1 : i32
    scf.for %while3A_52 = %while3A_49 to %while3A_45 step %while3A_51  : i32 {
      %mul3A_53 = arith.muli %while3A_52, %while3A_42 : i32
      %add3A_54 = arith.addi %arg1, %mul3A_53 : i32
      %mul3A_55 = arith.constant 8 : i32
      %mul3A_56 = arith.muli %add3A_54, %mul3A_55 : i32
      %mul3A_57 = arith.constant 8 : i32
      %mul3A_58 = arith.muli %add3A_54, %mul3A_57 : i32
      "tpu.region"() ({
        %run_scoped3A_59 = tpu.sem_alloc : memref<!tpu.dma_semaphore, #tpu.memory_space<semaphore_mem>>
        %dma_start3A = arith.constant 0 : i32
        %dma_start3A_60 = tpu.memref_slice %arg3[%arg0, %mul3A_58, %dma_start3A] : memref<2x80x128xf32, #tpu.memory_space<hbm>> -> memref<1x8x128xf32, #tpu.memory_space<hbm>>
        %dma_start3A_61 = tpu.memref_squeeze %dma_start3A_60 : memref<1x8x128xf32, #tpu.memory_space<hbm>> -> memref<8x128xf32, #tpu.memory_space<hbm>>
        %dma_start3A_62 = arith.constant 0 : i32
        %dma_start3A_63 = tpu.memref_slice %arg7[%mul3A_56, %dma_start3A_62] : memref<80x128xf32, #tpu.memory_space<vmem_shared>> -> memref<8x128xf32, #tpu.memory_space<vmem_shared>>
        tpu.enqueue_dma source(%dma_start3A_63 : memref<8x128xf32, #tpu.memory_space<vmem_shared>>) target(%dma_start3A_61 : memref<8x128xf32, #tpu.memory_space<hbm>>) target_semaphore(%run_scoped3A_59 : memref<!tpu.dma_semaphore, #tpu.memory_space<semaphore_mem>>)
        %dma_wait3A = arith.constant 0 : i32
        %dma_wait3A_64 = tpu.memref_slice %arg3[%arg0, %mul3A_58, %dma_wait3A] : memref<2x80x128xf32, #tpu.memory_space<hbm>> -> memref<1x8x128xf32, #tpu.memory_space<hbm>>
        %dma_wait3A_65 = tpu.memref_squeeze %dma_wait3A_64 : memref<1x8x128xf32, #tpu.memory_space<hbm>> -> memref<8x128xf32, #tpu.memory_space<hbm>>
        %dma_wait3A_66 = arith.constant 0 : i32
        %dma_wait3A_67 = tpu.memref_slice %arg7[%mul3A_56, %dma_wait3A_66] : memref<80x128xf32, #tpu.memory_space<vmem_shared>> -> memref<8x128xf32, #tpu.memory_space<vmem_shared>>
        tpu.wait_dma2 semaphore(%run_scoped3A_59 : memref<!tpu.dma_semaphore, #tpu.memory_space<semaphore_mem>>) src(%dma_wait3A_67 : memref<8x128xf32, #tpu.memory_space<vmem_shared>>) dst(%dma_wait3A_65 : memref<8x128xf32, #tpu.memory_space<hbm>>)
        tpu.yield
      }) : () -> ()
    }
    return
  }
}

#map = affine_map<(d0, d1) -> (0, 0)>
#map1 = affine_map<(d0, d1) -> (0, 0, 0, 0)>
#map2 = affine_map<(d0, d1) -> (0, 0, 0)>
module attributes {stable_mosaic.version = 14 : i64} {
  func.func @_sc_segsum_body(%arg0: i32, %arg1: i32, %arg2: memref<10240x128xf32, #tpu.memory_space<hbm>>, %arg3: memref<32x5x25x80xi32, #tpu.memory_space<hbm>>, %arg4: memref<32x5x25x80xi32, #tpu.memory_space<hbm>>, %arg5: memref<2x10240x128xf32, #tpu.memory_space<hbm>>, %arg6: memref<25x80xi32, #tpu.memory_space<vmem>>, %arg7: memref<25x80xi32, #tpu.memory_space<vmem>>, %arg8: memref<80x128xf32, #tpu.memory_space<vmem>>, %arg9: memref<80x128xf32, #tpu.memory_space<vmem>>, %arg10: memref<10000x128xf32, #tpu.memory_space<vmem_shared>>, %arg11: memref<!tpu.dma_semaphore, #tpu.memory_space<semaphore_mem>>, %arg12: memref<!tpu.dma_semaphore, #tpu.memory_space<semaphore_mem>>) attributes {dimension_semantics = [#tpu.dimension_semantics<core_parallel>, #tpu.dimension_semantics<subcore_parallel>], iteration_bounds = array<i64: 2, 16>, scalar_prefetch = 0 : i64, scratch_operands = 7 : i64, tpu.core_type = #tpu.core_type<sc_vector_subcore>, window_params = [{transform_indices = #map}, {transform_indices = #map1}, {transform_indices = #map1}, {transform_indices = #map2}]} {
    %mul3A = arith.constant 2 : i32
    %mul3A_0 = arith.muli %arg1, %mul3A : i32
    %add3A = arith.addi %mul3A_0, %arg0 : i32
    %broadcast_in_dim3A = arith.constant 0.000000e+00 : f32
    %broadcast_in_dim3A_1 = vector.broadcast %broadcast_in_dim3A : f32 to vector<16xf32>
    %scan3A = arith.constant 0 : i32
    %scan3A_2 = arith.constant 80 : i32
    %scan3A_3 = arith.addi %scan3A, %scan3A_2 : i32
    %scan3A_4 = arith.constant 1 : i32
    scf.for %scan3A_45 = %scan3A to %scan3A_3 step %scan3A_4  : i32 {
      %mul3A_46 = arith.constant 1 : i32
      %mul3A_47 = arith.muli %scan3A_45, %mul3A_46 : i32
      %add3A_48 = arith.constant 0 : i32
      %add3A_49 = arith.addi %add3A_48, %mul3A_47 : i32
      %scan3A_50 = arith.constant 0 : i32
      %scan3A_51 = arith.constant 8 : i32
      %scan3A_52 = arith.addi %scan3A_50, %scan3A_51 : i32
      %scan3A_53 = arith.constant 1 : i32
      scf.for %scan3A_55 = %scan3A_50 to %scan3A_52 step %scan3A_53  : i32 {
        %mul3A_56 = arith.constant 1 : i32
        %mul3A_57 = arith.muli %scan3A_55, %mul3A_56 : i32
        %add3A_58 = arith.constant 0 : i32
        %add3A_59 = arith.addi %add3A_58, %mul3A_57 : i32
        %mul3A_60 = arith.constant 16 : i32
        %mul3A_61 = arith.muli %add3A_59, %mul3A_60 : i32
        %swap3A = arith.index_cast %add3A_49 : i32 to index
        %swap3A_62 = arith.index_cast %mul3A_61 : i32 to index
        %swap3A_63 = tpu.vector_load %arg8[%swap3A, %swap3A_62] {strides = array<i32>} : memref<80x128xf32, #tpu.memory_space<vmem>>, vector<16xf32>,
        tpu.vector_store %arg8[%swap3A, %swap3A_62], %broadcast_in_dim3A_1 {strides = array<i32>} : memref<80x128xf32, #tpu.memory_space<vmem>>, vector<16xf32>,
      }
      %scan3A_54 = arith.constant 8 : i32
    }
    %scan3A_5 = arith.constant 80 : i32
    %sub3A = arith.constant 125 : i32
    %sub3A_6 = arith.subi %sub3A, %arg1 : i32
    %sub3A_7 = arith.constant 16 : i32
    %sub3A_8 = arith.constant 1 : i32
    %sub3A_9 = arith.subi %sub3A_7, %sub3A_8 : i32
    %add3A_10 = arith.addi %sub3A_6, %sub3A_9 : i32
    %div3A = arith.constant 16 : i32
    %div3A_11 = arith.divsi %add3A_10, %div3A : i32
    %while3A = arith.constant 16 : i32
    %while3A_12 = arith.constant 0 : i32
    %while3A_13 = arith.subi %div3A_11, %while3A_12 : i32
    %while3A_14 = arith.addi %while3A_12, %while3A_13 : i32
    %while3A_15 = arith.constant 1 : i32
    %while3A_16 = arith.divsi %while3A_13, %while3A_15 : i32
    %while3A_17 = arith.muli %while3A_16, %while3A_15 : i32
    %while3A_18 = arith.addi %while3A_12, %while3A_17 : i32
    %while3A_19 = arith.constant 1 : i32
    scf.for %while3A_45 = %while3A_12 to %while3A_18 step %while3A_19  : i32 {
      %mul3A_46 = arith.muli %while3A_45, %while3A : i32
      %add3A_47 = arith.addi %arg1, %mul3A_46 : i32
      %mul3A_48 = arith.constant 80 : i32
      %mul3A_49 = arith.muli %add3A_47, %mul3A_48 : i32
      "tpu.region"() ({
        %run_scoped3A = tpu.sem_alloc : memref<!tpu.dma_semaphore, #tpu.memory_space<semaphore_mem>>
        %dma_start3A = arith.constant 0 : i32
        %dma_start3A_50 = tpu.memref_slice %arg10[%mul3A_49, %dma_start3A] : memref<10000x128xf32, #tpu.memory_space<vmem_shared>> -> memref<80x128xf32, #tpu.memory_space<vmem_shared>>
        %dma_start3A_51 = arith.constant 0 : i32
        %dma_start3A_52 = tpu.memref_slice %arg10[%mul3A_49, %dma_start3A_51] : memref<10000x128xf32, #tpu.memory_space<vmem_shared>> -> memref<80x128xf32, #tpu.memory_space<vmem_shared>>
        tpu.enqueue_dma source(%arg8 : memref<80x128xf32, #tpu.memory_space<vmem>>) target(%dma_start3A_52 : memref<80x128xf32, #tpu.memory_space<vmem_shared>>) target_semaphore(%run_scoped3A : memref<!tpu.dma_semaphore, #tpu.memory_space<semaphore_mem>>)
        %dma_wait3A = arith.constant 0 : i32
        %dma_wait3A_53 = tpu.memref_slice %arg10[%mul3A_49, %dma_wait3A] : memref<10000x128xf32, #tpu.memory_space<vmem_shared>> -> memref<80x128xf32, #tpu.memory_space<vmem_shared>>
        %dma_wait3A_54 = arith.constant 0 : i32
        %dma_wait3A_55 = tpu.memref_slice %arg10[%mul3A_49, %dma_wait3A_54] : memref<10000x128xf32, #tpu.memory_space<vmem_shared>> -> memref<80x128xf32, #tpu.memory_space<vmem_shared>>
        tpu.wait_dma2 semaphore(%run_scoped3A : memref<!tpu.dma_semaphore, #tpu.memory_space<semaphore_mem>>) src(%arg8 : memref<80x128xf32, #tpu.memory_space<vmem>>) dst(%dma_wait3A_55 : memref<80x128xf32, #tpu.memory_space<vmem_shared>>)
        tpu.yield
      }) : () -> ()
    }
    %while3A_20 = arith.constant 1 : i32
    scf.for %while3A_45 = %while3A_18 to %while3A_14 step %while3A_20  : i32 {
      %mul3A_46 = arith.muli %while3A_45, %while3A : i32
      %add3A_47 = arith.addi %arg1, %mul3A_46 : i32
      %mul3A_48 = arith.constant 80 : i32
      %mul3A_49 = arith.muli %add3A_47, %mul3A_48 : i32
      "tpu.region"() ({
        %run_scoped3A = tpu.sem_alloc : memref<!tpu.dma_semaphore, #tpu.memory_space<semaphore_mem>>
        %dma_start3A = arith.constant 0 : i32
        %dma_start3A_50 = tpu.memref_slice %arg10[%mul3A_49, %dma_start3A] : memref<10000x128xf32, #tpu.memory_space<vmem_shared>> -> memref<80x128xf32, #tpu.memory_space<vmem_shared>>
        %dma_start3A_51 = arith.constant 0 : i32
        %dma_start3A_52 = tpu.memref_slice %arg10[%mul3A_49, %dma_start3A_51] : memref<10000x128xf32, #tpu.memory_space<vmem_shared>> -> memref<80x128xf32, #tpu.memory_space<vmem_shared>>
        tpu.enqueue_dma source(%arg8 : memref<80x128xf32, #tpu.memory_space<vmem>>) target(%dma_start3A_52 : memref<80x128xf32, #tpu.memory_space<vmem_shared>>) target_semaphore(%run_scoped3A : memref<!tpu.dma_semaphore, #tpu.memory_space<semaphore_mem>>)
        %dma_wait3A = arith.constant 0 : i32
        %dma_wait3A_53 = tpu.memref_slice %arg10[%mul3A_49, %dma_wait3A] : memref<10000x128xf32, #tpu.memory_space<vmem_shared>> -> memref<80x128xf32, #tpu.memory_space<vmem_shared>>
        %dma_wait3A_54 = arith.constant 0 : i32
        %dma_wait3A_55 = tpu.memref_slice %arg10[%mul3A_49, %dma_wait3A_54] : memref<10000x128xf32, #tpu.memory_space<vmem_shared>> -> memref<80x128xf32, #tpu.memory_space<vmem_shared>>
        tpu.wait_dma2 semaphore(%run_scoped3A : memref<!tpu.dma_semaphore, #tpu.memory_space<semaphore_mem>>) src(%arg8 : memref<80x128xf32, #tpu.memory_space<vmem>>) dst(%dma_wait3A_55 : memref<80x128xf32, #tpu.memory_space<vmem_shared>>)
        tpu.yield
      }) : () -> ()
    }
    %barrier3A = arith.constant 0 : index
    tpu.barrier barrier_id(%barrier3A)
    %scan3A_21 = arith.constant 0 : i32
    %scan3A_22 = arith.constant 5 : i32
    %scan3A_23 = arith.addi %scan3A_21, %scan3A_22 : i32
    %scan3A_24 = arith.constant 1 : i32
    scf.for %scan3A_45 = %scan3A_21 to %scan3A_23 step %scan3A_24  : i32 {
      %mul3A_46 = arith.constant 1 : i32
      %mul3A_47 = arith.muli %scan3A_45, %mul3A_46 : i32
      %add3A_48 = arith.constant 0 : i32
      %add3A_49 = arith.addi %add3A_48, %mul3A_47 : i32
      "tpu.region"() ({
        %run_scoped3A_67 = tpu.sem_alloc : memref<!tpu.dma_semaphore, #tpu.memory_space<semaphore_mem>>
        %dma_start3A_68 = arith.constant 0 : i32
        %dma_start3A_69 = arith.constant 0 : i32
        %dma_start3A_70 = tpu.memref_slice %arg3[%add3A, %add3A_49, %dma_start3A_68, %dma_start3A_69] : memref<32x5x25x80xi32, #tpu.memory_space<hbm>> -> memref<1x1x25x80xi32, #tpu.memory_space<hbm>>
        %dma_start3A_71 = tpu.memref_squeeze %dma_start3A_70 : memref<1x1x25x80xi32, #tpu.memory_space<hbm>> -> memref<25x80xi32, #tpu.memory_space<hbm>>
        %dma_start3A_72 = arith.constant 0 : i32
        %dma_start3A_73 = arith.constant 0 : i32
        %dma_start3A_74 = tpu.memref_slice %arg3[%add3A, %add3A_49, %dma_start3A_72, %dma_start3A_73] : memref<32x5x25x80xi32, #tpu.memory_space<hbm>> -> memref<1x1x25x80xi32, #tpu.memory_space<hbm>>
        %dma_start3A_75 = tpu.memref_squeeze %dma_start3A_74 : memref<1x1x25x80xi32, #tpu.memory_space<hbm>> -> memref<25x80xi32, #tpu.memory_space<hbm>>
        tpu.enqueue_dma source(%dma_start3A_75 : memref<25x80xi32, #tpu.memory_space<hbm>>) target(%arg6 : memref<25x80xi32, #tpu.memory_space<vmem>>) target_semaphore(%run_scoped3A_67 : memref<!tpu.dma_semaphore, #tpu.memory_space<semaphore_mem>>)
        %dma_wait3A_76 = arith.constant 0 : i32
        %dma_wait3A_77 = arith.constant 0 : i32
        %dma_wait3A_78 = tpu.memref_slice %arg3[%add3A, %add3A_49, %dma_wait3A_76, %dma_wait3A_77] : memref<32x5x25x80xi32, #tpu.memory_space<hbm>> -> memref<1x1x25x80xi32, #tpu.memory_space<hbm>>
        %dma_wait3A_79 = tpu.memref_squeeze %dma_wait3A_78 : memref<1x1x25x80xi32, #tpu.memory_space<hbm>> -> memref<25x80xi32, #tpu.memory_space<hbm>>
        %dma_wait3A_80 = arith.constant 0 : i32
        %dma_wait3A_81 = arith.constant 0 : i32
        %dma_wait3A_82 = tpu.memref_slice %arg3[%add3A, %add3A_49, %dma_wait3A_80, %dma_wait3A_81] : memref<32x5x25x80xi32, #tpu.memory_space<hbm>> -> memref<1x1x25x80xi32, #tpu.memory_space<hbm>>
        %dma_wait3A_83 = tpu.memref_squeeze %dma_wait3A_82 : memref<1x1x25x80xi32, #tpu.memory_space<hbm>> -> memref<25x80xi32, #tpu.memory_space<hbm>>
        tpu.wait_dma2 semaphore(%run_scoped3A_67 : memref<!tpu.dma_semaphore, #tpu.memory_space<semaphore_mem>>) src(%dma_wait3A_83 : memref<25x80xi32, #tpu.memory_space<hbm>>) dst(%arg6 : memref<25x80xi32, #tpu.memory_space<vmem>>)
        tpu.yield
      }) : () -> ()
      "tpu.region"() ({
        %run_scoped3A_67 = tpu.sem_alloc : memref<!tpu.dma_semaphore, #tpu.memory_space<semaphore_mem>>
        %dma_start3A_68 = arith.constant 0 : i32
        %dma_start3A_69 = arith.constant 0 : i32
        %dma_start3A_70 = tpu.memref_slice %arg4[%add3A, %add3A_49, %dma_start3A_68, %dma_start3A_69] : memref<32x5x25x80xi32, #tpu.memory_space<hbm>> -> memref<1x1x25x80xi32, #tpu.memory_space<hbm>>
        %dma_start3A_71 = tpu.memref_squeeze %dma_start3A_70 : memref<1x1x25x80xi32, #tpu.memory_space<hbm>> -> memref<25x80xi32, #tpu.memory_space<hbm>>
        %dma_start3A_72 = arith.constant 0 : i32
        %dma_start3A_73 = arith.constant 0 : i32
        %dma_start3A_74 = tpu.memref_slice %arg4[%add3A, %add3A_49, %dma_start3A_72, %dma_start3A_73] : memref<32x5x25x80xi32, #tpu.memory_space<hbm>> -> memref<1x1x25x80xi32, #tpu.memory_space<hbm>>
        %dma_start3A_75 = tpu.memref_squeeze %dma_start3A_74 : memref<1x1x25x80xi32, #tpu.memory_space<hbm>> -> memref<25x80xi32, #tpu.memory_space<hbm>>
        tpu.enqueue_dma source(%dma_start3A_75 : memref<25x80xi32, #tpu.memory_space<hbm>>) target(%arg7 : memref<25x80xi32, #tpu.memory_space<vmem>>) target_semaphore(%run_scoped3A_67 : memref<!tpu.dma_semaphore, #tpu.memory_space<semaphore_mem>>)
        %dma_wait3A_76 = arith.constant 0 : i32
        %dma_wait3A_77 = arith.constant 0 : i32
        %dma_wait3A_78 = tpu.memref_slice %arg4[%add3A, %add3A_49, %dma_wait3A_76, %dma_wait3A_77] : memref<32x5x25x80xi32, #tpu.memory_space<hbm>> -> memref<1x1x25x80xi32, #tpu.memory_space<hbm>>
        %dma_wait3A_79 = tpu.memref_squeeze %dma_wait3A_78 : memref<1x1x25x80xi32, #tpu.memory_space<hbm>> -> memref<25x80xi32, #tpu.memory_space<hbm>>
        %dma_wait3A_80 = arith.constant 0 : i32
        %dma_wait3A_81 = arith.constant 0 : i32
        %dma_wait3A_82 = tpu.memref_slice %arg4[%add3A, %add3A_49, %dma_wait3A_80, %dma_wait3A_81] : memref<32x5x25x80xi32, #tpu.memory_space<hbm>> -> memref<1x1x25x80xi32, #tpu.memory_space<hbm>>
        %dma_wait3A_83 = tpu.memref_squeeze %dma_wait3A_82 : memref<1x1x25x80xi32, #tpu.memory_space<hbm>> -> memref<25x80xi32, #tpu.memory_space<hbm>>
        tpu.wait_dma2 semaphore(%run_scoped3A_67 : memref<!tpu.dma_semaphore, #tpu.memory_space<semaphore_mem>>) src(%dma_wait3A_83 : memref<25x80xi32, #tpu.memory_space<hbm>>) dst(%arg7 : memref<25x80xi32, #tpu.memory_space<vmem>>)
        tpu.yield
      }) : () -> ()
      %dma_start3A = arith.constant 0 : i32
      %dma_start3A_50 = arith.constant 0 : i32
      %dma_start3A_51 = tpu.memref_slice %arg6[%dma_start3A, %dma_start3A_50] : memref<25x80xi32, #tpu.memory_space<vmem>> -> memref<1x80xi32, #tpu.memory_space<vmem>>
      %dma_start3A_52 = tpu.memref_squeeze %dma_start3A_51 : memref<1x80xi32, #tpu.memory_space<vmem>> -> memref<80xi32, #tpu.memory_space<vmem>>
      %dma_start3A_53 = arith.constant 0 : i32
      %dma_start3A_54 = arith.constant 0 : i32
      %dma_start3A_55 = tpu.memref_slice %arg2[%dma_start3A_53, %dma_start3A_54] : memref<10240x128xf32, #tpu.memory_space<hbm>> -> memref<10240x128xf32, #tpu.memory_space<hbm>>
      tpu.enqueue_indirect_dma source(%dma_start3A_55 : memref<10240x128xf32, #tpu.memory_space<hbm>>) target(%arg8 : memref<80x128xf32, #tpu.memory_space<vmem>>) offsets(%dma_start3A_52 : memref<80xi32, #tpu.memory_space<vmem>>) semaphore(%arg11 : memref<!tpu.dma_semaphore, #tpu.memory_space<semaphore_mem>>)
      %scan3A_56 = arith.constant 0 : i32
      %scan3A_57 = arith.constant 12 : i32
      %scan3A_58 = arith.addi %scan3A_56, %scan3A_57 : i32
      %scan3A_59 = arith.constant 1 : i32
      scf.for %scan3A_67 = %scan3A_56 to %scan3A_58 step %scan3A_59  : i32 {
        %mul3A_68 = arith.constant 2 : i32
        %mul3A_69 = arith.muli %scan3A_67, %mul3A_68 : i32
        %add3A_70 = arith.constant 0 : i32
        %add3A_71 = arith.addi %add3A_70, %mul3A_69 : i32
        %add3A_72 = arith.constant 1 : i32
        %add3A_73 = arith.addi %add3A_71, %add3A_72 : i32
        %dma_start3A_74 = arith.constant 0 : i32
        %dma_start3A_75 = tpu.memref_slice %arg6[%add3A_73, %dma_start3A_74] : memref<25x80xi32, #tpu.memory_space<vmem>> -> memref<1x80xi32, #tpu.memory_space<vmem>>
        %dma_start3A_76 = tpu.memref_squeeze %dma_start3A_75 : memref<1x80xi32, #tpu.memory_space<vmem>> -> memref<80xi32, #tpu.memory_space<vmem>>
        %dma_start3A_77 = arith.constant 0 : i32
        %dma_start3A_78 = arith.constant 0 : i32
        %dma_start3A_79 = tpu.memref_slice %arg2[%dma_start3A_77, %dma_start3A_78] : memref<10240x128xf32, #tpu.memory_space<hbm>> -> memref<10240x128xf32, #tpu.memory_space<hbm>>
        tpu.enqueue_indirect_dma source(%dma_start3A_79 : memref<10240x128xf32, #tpu.memory_space<hbm>>) target(%arg9 : memref<80x128xf32, #tpu.memory_space<vmem>>) offsets(%dma_start3A_76 : memref<80xi32, #tpu.memory_space<vmem>>) semaphore(%arg12 : memref<!tpu.dma_semaphore, #tpu.memory_space<semaphore_mem>>)
        %dma_wait3A_80 = arith.constant 0 : i32
        %dma_wait3A_81 = tpu.memref_slice %arg6[%add3A_71, %dma_wait3A_80] : memref<25x80xi32, #tpu.memory_space<vmem>> -> memref<1x80xi32, #tpu.memory_space<vmem>>
        %dma_wait3A_82 = tpu.memref_squeeze %dma_wait3A_81 : memref<1x80xi32, #tpu.memory_space<vmem>> -> memref<80xi32, #tpu.memory_space<vmem>>
        %dma_wait3A_83 = arith.constant 0 : i32
        %dma_wait3A_84 = arith.constant 0 : i32
        %dma_wait3A_85 = tpu.memref_slice %arg2[%dma_wait3A_83, %dma_wait3A_84] : memref<10240x128xf32, #tpu.memory_space<hbm>> -> memref<10240x128xf32, #tpu.memory_space<hbm>>
        tpu.wait_indirect_dma semaphore(%arg11 : memref<!tpu.dma_semaphore, #tpu.memory_space<semaphore_mem>>) src(%dma_wait3A_85 : memref<10240x128xf32, #tpu.memory_space<hbm>>) dst(%arg8 : memref<80x128xf32, #tpu.memory_space<vmem>>)
        "tpu.region"() ({
          %run_scoped3A_104 = tpu.sem_alloc : memref<!tpu.dma_semaphore, #tpu.memory_space<semaphore_mem>>
          %dma_start3A_105 = arith.constant 0 : i32
          %dma_start3A_106 = tpu.memref_slice %arg7[%add3A_71, %dma_start3A_105] : memref<25x80xi32, #tpu.memory_space<vmem>> -> memref<1x80xi32, #tpu.memory_space<vmem>>
          %dma_start3A_107 = tpu.memref_squeeze %dma_start3A_106 : memref<1x80xi32, #tpu.memory_space<vmem>> -> memref<80xi32, #tpu.memory_space<vmem>>
          %dma_start3A_108 = arith.constant 0 : i32
          %dma_start3A_109 = arith.constant 0 : i32
          %dma_start3A_110 = tpu.memref_slice %arg10[%dma_start3A_108, %dma_start3A_109] : memref<10000x128xf32, #tpu.memory_space<vmem_shared>> -> memref<10000x128xf32, #tpu.memory_space<vmem_shared>>
          tpu.enqueue_indirect_dma source(%arg8 : memref<80x128xf32, #tpu.memory_space<vmem>>) target(%dma_start3A_110 : memref<10000x128xf32, #tpu.memory_space<vmem_shared>>) offsets(%dma_start3A_107 : memref<80xi32, #tpu.memory_space<vmem>>) semaphore(%run_scoped3A_104 : memref<!tpu.dma_semaphore, #tpu.memory_space<semaphore_mem>>) {add = true}
          %dma_wait3A_111 = arith.constant 0 : i32
          %dma_wait3A_112 = tpu.memref_slice %arg7[%add3A_71, %dma_wait3A_111] : memref<25x80xi32, #tpu.memory_space<vmem>> -> memref<1x80xi32, #tpu.memory_space<vmem>>
          %dma_wait3A_113 = tpu.memref_squeeze %dma_wait3A_112 : memref<1x80xi32, #tpu.memory_space<vmem>> -> memref<80xi32, #tpu.memory_space<vmem>>
          %dma_wait3A_114 = arith.constant 0 : i32
          %dma_wait3A_115 = arith.constant 0 : i32
          %dma_wait3A_116 = tpu.memref_slice %arg10[%dma_wait3A_114, %dma_wait3A_115] : memref<10000x128xf32, #tpu.memory_space<vmem_shared>> -> memref<10000x128xf32, #tpu.memory_space<vmem_shared>>
          tpu.wait_indirect_dma semaphore(%run_scoped3A_104 : memref<!tpu.dma_semaphore, #tpu.memory_space<semaphore_mem>>) src(%arg8 : memref<80x128xf32, #tpu.memory_space<vmem>>) dst(%dma_wait3A_116 : memref<10000x128xf32, #tpu.memory_space<vmem_shared>>)
          tpu.yield
        }) : () -> ()
        %add3A_86 = arith.constant 2 : i32
        %add3A_87 = arith.addi %add3A_71, %add3A_86 : i32
        %dma_start3A_88 = arith.constant 0 : i32
        %dma_start3A_89 = tpu.memref_slice %arg6[%add3A_87, %dma_start3A_88] : memref<25x80xi32, #tpu.memory_space<vmem>> -> memref<1x80xi32, #tpu.memory_space<vmem>>
        %dma_start3A_90 = tpu.memref_squeeze %dma_start3A_89 : memref<1x80xi32, #tpu.memory_space<vmem>> -> memref<80xi32, #tpu.memory_space<vmem>>
        %dma_start3A_91 = arith.constant 0 : i32
        %dma_start3A_92 = arith.constant 0 : i32
        %dma_start3A_93 = tpu.memref_slice %arg2[%dma_start3A_91, %dma_start3A_92] : memref<10240x128xf32, #tpu.memory_space<hbm>> -> memref<10240x128xf32, #tpu.memory_space<hbm>>
        tpu.enqueue_indirect_dma source(%dma_start3A_93 : memref<10240x128xf32, #tpu.memory_space<hbm>>) target(%arg8 : memref<80x128xf32, #tpu.memory_space<vmem>>) offsets(%dma_start3A_90 : memref<80xi32, #tpu.memory_space<vmem>>) semaphore(%arg11 : memref<!tpu.dma_semaphore, #tpu.memory_space<semaphore_mem>>)
        %add3A_94 = arith.constant 1 : i32
        %add3A_95 = arith.addi %add3A_71, %add3A_94 : i32
        %dma_wait3A_96 = arith.constant 0 : i32
        %dma_wait3A_97 = tpu.memref_slice %arg6[%add3A_95, %dma_wait3A_96] : memref<25x80xi32, #tpu.memory_space<vmem>> -> memref<1x80xi32, #tpu.memory_space<vmem>>
        %dma_wait3A_98 = tpu.memref_squeeze %dma_wait3A_97 : memref<1x80xi32, #tpu.memory_space<vmem>> -> memref<80xi32, #tpu.memory_space<vmem>>
        %dma_wait3A_99 = arith.constant 0 : i32
        %dma_wait3A_100 = arith.constant 0 : i32
        %dma_wait3A_101 = tpu.memref_slice %arg2[%dma_wait3A_99, %dma_wait3A_100] : memref<10240x128xf32, #tpu.memory_space<hbm>> -> memref<10240x128xf32, #tpu.memory_space<hbm>>
        tpu.wait_indirect_dma semaphore(%arg12 : memref<!tpu.dma_semaphore, #tpu.memory_space<semaphore_mem>>) src(%dma_wait3A_101 : memref<10240x128xf32, #tpu.memory_space<hbm>>) dst(%arg9 : memref<80x128xf32, #tpu.memory_space<vmem>>)
        %add3A_102 = arith.constant 1 : i32
        %add3A_103 = arith.addi %add3A_71, %add3A_102 : i32
        "tpu.region"() ({
          %run_scoped3A_104 = tpu.sem_alloc : memref<!tpu.dma_semaphore, #tpu.memory_space<semaphore_mem>>
          %dma_start3A_105 = arith.constant 0 : i32
          %dma_start3A_106 = tpu.memref_slice %arg7[%add3A_103, %dma_start3A_105] : memref<25x80xi32, #tpu.memory_space<vmem>> -> memref<1x80xi32, #tpu.memory_space<vmem>>
          %dma_start3A_107 = tpu.memref_squeeze %dma_start3A_106 : memref<1x80xi32, #tpu.memory_space<vmem>> -> memref<80xi32, #tpu.memory_space<vmem>>
          %dma_start3A_108 = arith.constant 0 : i32
          %dma_start3A_109 = arith.constant 0 : i32
          %dma_start3A_110 = tpu.memref_slice %arg10[%dma_start3A_108, %dma_start3A_109] : memref<10000x128xf32, #tpu.memory_space<vmem_shared>> -> memref<10000x128xf32, #tpu.memory_space<vmem_shared>>
          tpu.enqueue_indirect_dma source(%arg9 : memref<80x128xf32, #tpu.memory_space<vmem>>) target(%dma_start3A_110 : memref<10000x128xf32, #tpu.memory_space<vmem_shared>>) offsets(%dma_start3A_107 : memref<80xi32, #tpu.memory_space<vmem>>) semaphore(%run_scoped3A_104 : memref<!tpu.dma_semaphore, #tpu.memory_space<semaphore_mem>>) {add = true}
          %dma_wait3A_111 = arith.constant 0 : i32
          %dma_wait3A_112 = tpu.memref_slice %arg7[%add3A_103, %dma_wait3A_111] : memref<25x80xi32, #tpu.memory_space<vmem>> -> memref<1x80xi32, #tpu.memory_space<vmem>>
          %dma_wait3A_113 = tpu.memref_squeeze %dma_wait3A_112 : memref<1x80xi32, #tpu.memory_space<vmem>> -> memref<80xi32, #tpu.memory_space<vmem>>
          %dma_wait3A_114 = arith.constant 0 : i32
          %dma_wait3A_115 = arith.constant 0 : i32
          %dma_wait3A_116 = tpu.memref_slice %arg10[%dma_wait3A_114, %dma_wait3A_115] : memref<10000x128xf32, #tpu.memory_space<vmem_shared>> -> memref<10000x128xf32, #tpu.memory_space<vmem_shared>>
          tpu.wait_indirect_dma semaphore(%run_scoped3A_104 : memref<!tpu.dma_semaphore, #tpu.memory_space<semaphore_mem>>) src(%arg9 : memref<80x128xf32, #tpu.memory_space<vmem>>) dst(%dma_wait3A_116 : memref<10000x128xf32, #tpu.memory_space<vmem_shared>>)
          tpu.yield
        }) : () -> ()
      }
      %scan3A_60 = arith.constant 12 : i32
      %dma_wait3A = arith.constant 24 : i32
      %dma_wait3A_61 = arith.constant 0 : i32
      %dma_wait3A_62 = tpu.memref_slice %arg6[%dma_wait3A, %dma_wait3A_61] : memref<25x80xi32, #tpu.memory_space<vmem>> -> memref<1x80xi32, #tpu.memory_space<vmem>>
      %dma_wait3A_63 = tpu.memref_squeeze %dma_wait3A_62 : memref<1x80xi32, #tpu.memory_space<vmem>> -> memref<80xi32, #tpu.memory_space<vmem>>
      %dma_wait3A_64 = arith.constant 0 : i32
      %dma_wait3A_65 = arith.constant 0 : i32
      %dma_wait3A_66 = tpu.memref_slice %arg2[%dma_wait3A_64, %dma_wait3A_65] : memref<10240x128xf32, #tpu.memory_space<hbm>> -> memref<10240x128xf32, #tpu.memory_space<hbm>>
      tpu.wait_indirect_dma semaphore(%arg11 : memref<!tpu.dma_semaphore, #tpu.memory_space<semaphore_mem>>) src(%dma_wait3A_66 : memref<10240x128xf32, #tpu.memory_space<hbm>>) dst(%arg8 : memref<80x128xf32, #tpu.memory_space<vmem>>)
      %run_scoped3A = arith.constant 24 : i32
      "tpu.region"() ({
        %run_scoped3A_67 = tpu.sem_alloc : memref<!tpu.dma_semaphore, #tpu.memory_space<semaphore_mem>>
        %dma_start3A_68 = arith.constant 0 : i32
        %dma_start3A_69 = tpu.memref_slice %arg7[%run_scoped3A, %dma_start3A_68] : memref<25x80xi32, #tpu.memory_space<vmem>> -> memref<1x80xi32, #tpu.memory_space<vmem>>
        %dma_start3A_70 = tpu.memref_squeeze %dma_start3A_69 : memref<1x80xi32, #tpu.memory_space<vmem>> -> memref<80xi32, #tpu.memory_space<vmem>>
        %dma_start3A_71 = arith.constant 0 : i32
        %dma_start3A_72 = arith.constant 0 : i32
        %dma_start3A_73 = tpu.memref_slice %arg10[%dma_start3A_71, %dma_start3A_72] : memref<10000x128xf32, #tpu.memory_space<vmem_shared>> -> memref<10000x128xf32, #tpu.memory_space<vmem_shared>>
        tpu.enqueue_indirect_dma source(%arg8 : memref<80x128xf32, #tpu.memory_space<vmem>>) target(%dma_start3A_73 : memref<10000x128xf32, #tpu.memory_space<vmem_shared>>) offsets(%dma_start3A_70 : memref<80xi32, #tpu.memory_space<vmem>>) semaphore(%run_scoped3A_67 : memref<!tpu.dma_semaphore, #tpu.memory_space<semaphore_mem>>) {add = true}
        %dma_wait3A_74 = arith.constant 0 : i32
        %dma_wait3A_75 = tpu.memref_slice %arg7[%run_scoped3A, %dma_wait3A_74] : memref<25x80xi32, #tpu.memory_space<vmem>> -> memref<1x80xi32, #tpu.memory_space<vmem>>
        %dma_wait3A_76 = tpu.memref_squeeze %dma_wait3A_75 : memref<1x80xi32, #tpu.memory_space<vmem>> -> memref<80xi32, #tpu.memory_space<vmem>>
        %dma_wait3A_77 = arith.constant 0 : i32
        %dma_wait3A_78 = arith.constant 0 : i32
        %dma_wait3A_79 = tpu.memref_slice %arg10[%dma_wait3A_77, %dma_wait3A_78] : memref<10000x128xf32, #tpu.memory_space<vmem_shared>> -> memref<10000x128xf32, #tpu.memory_space<vmem_shared>>
        tpu.wait_indirect_dma semaphore(%run_scoped3A_67 : memref<!tpu.dma_semaphore, #tpu.memory_space<semaphore_mem>>) src(%arg8 : memref<80x128xf32, #tpu.memory_space<vmem>>) dst(%dma_wait3A_79 : memref<10000x128xf32, #tpu.memory_space<vmem_shared>>)
        tpu.yield
      }) : () -> ()
    }
    %scan3A_25 = arith.constant 5 : i32
    %barrier3A_26 = arith.constant 0 : index
    tpu.barrier barrier_id(%barrier3A_26)
    %sub3A_27 = arith.constant 125 : i32
    %sub3A_28 = arith.subi %sub3A_27, %arg1 : i32
    %sub3A_29 = arith.constant 16 : i32
    %sub3A_30 = arith.constant 1 : i32
    %sub3A_31 = arith.subi %sub3A_29, %sub3A_30 : i32
    %add3A_32 = arith.addi %sub3A_28, %sub3A_31 : i32
    %div3A_33 = arith.constant 16 : i32
    %div3A_34 = arith.divsi %add3A_32, %div3A_33 : i32
    %while3A_35 = arith.constant 16 : i32
    %while3A_36 = arith.constant 0 : i32
    %while3A_37 = arith.subi %div3A_34, %while3A_36 : i32
    %while3A_38 = arith.addi %while3A_36, %while3A_37 : i32
    %while3A_39 = arith.constant 1 : i32
    %while3A_40 = arith.divsi %while3A_37, %while3A_39 : i32
    %while3A_41 = arith.muli %while3A_40, %while3A_39 : i32
    %while3A_42 = arith.addi %while3A_36, %while3A_41 : i32
    %while3A_43 = arith.constant 1 : i32
    scf.for %while3A_45 = %while3A_36 to %while3A_42 step %while3A_43  : i32 {
      %mul3A_46 = arith.muli %while3A_45, %while3A_35 : i32
      %add3A_47 = arith.addi %arg1, %mul3A_46 : i32
      %mul3A_48 = arith.constant 80 : i32
      %mul3A_49 = arith.muli %add3A_47, %mul3A_48 : i32
      %mul3A_50 = arith.constant 80 : i32
      %mul3A_51 = arith.muli %add3A_47, %mul3A_50 : i32
      "tpu.region"() ({
        %run_scoped3A = tpu.sem_alloc : memref<!tpu.dma_semaphore, #tpu.memory_space<semaphore_mem>>
        %dma_start3A = arith.constant 0 : i32
        %dma_start3A_52 = tpu.memref_slice %arg5[%arg0, %mul3A_51, %dma_start3A] : memref<2x10240x128xf32, #tpu.memory_space<hbm>> -> memref<1x80x128xf32, #tpu.memory_space<hbm>>
        %dma_start3A_53 = tpu.memref_squeeze %dma_start3A_52 : memref<1x80x128xf32, #tpu.memory_space<hbm>> -> memref<80x128xf32, #tpu.memory_space<hbm>>
        %dma_start3A_54 = arith.constant 0 : i32
        %dma_start3A_55 = tpu.memref_slice %arg10[%mul3A_49, %dma_start3A_54] : memref<10000x128xf32, #tpu.memory_space<vmem_shared>> -> memref<80x128xf32, #tpu.memory_space<vmem_shared>>
        tpu.enqueue_dma source(%dma_start3A_55 : memref<80x128xf32, #tpu.memory_space<vmem_shared>>) target(%dma_start3A_53 : memref<80x128xf32, #tpu.memory_space<hbm>>) target_semaphore(%run_scoped3A : memref<!tpu.dma_semaphore, #tpu.memory_space<semaphore_mem>>)
        %dma_wait3A = arith.constant 0 : i32
        %dma_wait3A_56 = tpu.memref_slice %arg5[%arg0, %mul3A_51, %dma_wait3A] : memref<2x10240x128xf32, #tpu.memory_space<hbm>> -> memref<1x80x128xf32, #tpu.memory_space<hbm>>
        %dma_wait3A_57 = tpu.memref_squeeze %dma_wait3A_56 : memref<1x80x128xf32, #tpu.memory_space<hbm>> -> memref<80x128xf32, #tpu.memory_space<hbm>>
        %dma_wait3A_58 = arith.constant 0 : i32
        %dma_wait3A_59 = tpu.memref_slice %arg10[%mul3A_49, %dma_wait3A_58] : memref<10000x128xf32, #tpu.memory_space<vmem_shared>> -> memref<80x128xf32, #tpu.memory_space<vmem_shared>>
        tpu.wait_dma2 semaphore(%run_scoped3A : memref<!tpu.dma_semaphore, #tpu.memory_space<semaphore_mem>>) src(%dma_wait3A_59 : memref<80x128xf32, #tpu.memory_space<vmem_shared>>) dst(%dma_wait3A_57 : memref<80x128xf32, #tpu.memory_space<hbm>>)
        tpu.yield
      }) : () -> ()
    }
    %while3A_44 = arith.constant 1 : i32
    scf.for %while3A_45 = %while3A_42 to %while3A_38 step %while3A_44  : i32 {
      %mul3A_46 = arith.muli %while3A_45, %while3A_35 : i32
      %add3A_47 = arith.addi %arg1, %mul3A_46 : i32
      %mul3A_48 = arith.constant 80 : i32
      %mul3A_49 = arith.muli %add3A_47, %mul3A_48 : i32
      %mul3A_50 = arith.constant 80 : i32
      %mul3A_51 = arith.muli %add3A_47, %mul3A_50 : i32
      "tpu.region"() ({
        %run_scoped3A = tpu.sem_alloc : memref<!tpu.dma_semaphore, #tpu.memory_space<semaphore_mem>>
        %dma_start3A = arith.constant 0 : i32
        %dma_start3A_52 = tpu.memref_slice %arg5[%arg0, %mul3A_51, %dma_start3A] : memref<2x10240x128xf32, #tpu.memory_space<hbm>> -> memref<1x80x128xf32, #tpu.memory_space<hbm>>
        %dma_start3A_53 = tpu.memref_squeeze %dma_start3A_52 : memref<1x80x128xf32, #tpu.memory_space<hbm>> -> memref<80x128xf32, #tpu.memory_space<hbm>>
        %dma_start3A_54 = arith.constant 0 : i32
        %dma_start3A_55 = tpu.memref_slice %arg10[%mul3A_49, %dma_start3A_54] : memref<10000x128xf32, #tpu.memory_space<vmem_shared>> -> memref<80x128xf32, #tpu.memory_space<vmem_shared>>
        tpu.enqueue_dma source(%dma_start3A_55 : memref<80x128xf32, #tpu.memory_space<vmem_shared>>) target(%dma_start3A_53 : memref<80x128xf32, #tpu.memory_space<hbm>>) target_semaphore(%run_scoped3A : memref<!tpu.dma_semaphore, #tpu.memory_space<semaphore_mem>>)
        %dma_wait3A = arith.constant 0 : i32
        %dma_wait3A_56 = tpu.memref_slice %arg5[%arg0, %mul3A_51, %dma_wait3A] : memref<2x10240x128xf32, #tpu.memory_space<hbm>> -> memref<1x80x128xf32, #tpu.memory_space<hbm>>
        %dma_wait3A_57 = tpu.memref_squeeze %dma_wait3A_56 : memref<1x80x128xf32, #tpu.memory_space<hbm>> -> memref<80x128xf32, #tpu.memory_space<hbm>>
        %dma_wait3A_58 = arith.constant 0 : i32
        %dma_wait3A_59 = tpu.memref_slice %arg10[%mul3A_49, %dma_wait3A_58] : memref<10000x128xf32, #tpu.memory_space<vmem_shared>> -> memref<80x128xf32, #tpu.memory_space<vmem_shared>>
        tpu.wait_dma2 semaphore(%run_scoped3A : memref<!tpu.dma_semaphore, #tpu.memory_space<semaphore_mem>>) src(%dma_wait3A_59 : memref<80x128xf32, #tpu.memory_space<vmem_shared>>) dst(%dma_wait3A_57 : memref<80x128xf32, #tpu.memory_space<hbm>>)
        tpu.yield
      }) : () -> ()
    }
    return
  }
}

#map = affine_map<(d0, d1) -> (0, 0)>
#map1 = affine_map<(d0, d1) -> (0, 0, 0, 0)>
#map2 = affine_map<(d0, d1) -> (0, 0, 0)>
module attributes {stable_mosaic.version = 14 : i64} {
  func.func @_sc_segsum_body(%arg0: i32, %arg1: i32, %arg2: memref<10240x128xf32, #tpu.memory_space<hbm>>, %arg3: memref<32x5x25x80xi32, #tpu.memory_space<hbm>>, %arg4: memref<32x5x25x80xi32, #tpu.memory_space<hbm>>, %arg5: memref<2x10240x128xf32, #tpu.memory_space<hbm>>, %arg6: memref<25x80xi32, #tpu.memory_space<vmem>>, %arg7: memref<25x80xi32, #tpu.memory_space<vmem>>, %arg8: memref<80x128xf32, #tpu.memory_space<vmem>>, %arg9: memref<80x128xf32, #tpu.memory_space<vmem>>, %arg10: memref<10000x128xf32, #tpu.memory_space<vmem_shared>>, %arg11: memref<!tpu.dma_semaphore, #tpu.memory_space<semaphore_mem>>, %arg12: memref<!tpu.dma_semaphore, #tpu.memory_space<semaphore_mem>>) attributes {dimension_semantics = [#tpu.dimension_semantics<core_parallel>, #tpu.dimension_semantics<subcore_parallel>], iteration_bounds = array<i64: 2, 16>, scalar_prefetch = 0 : i64, scratch_operands = 7 : i64, tpu.core_type = #tpu.core_type<sc_vector_subcore>, window_params = [{transform_indices = #map}, {transform_indices = #map1}, {transform_indices = #map1}, {transform_indices = #map2}]} {
    %mul3A = arith.constant 2 : i32
    %mul3A_0 = arith.muli %arg1, %mul3A : i32
    %add3A = arith.addi %mul3A_0, %arg0 : i32
    %broadcast_in_dim3A = arith.constant 0.000000e+00 : f32
    %broadcast_in_dim3A_1 = vector.broadcast %broadcast_in_dim3A : f32 to vector<16xf32>
    %scan3A = arith.constant 0 : i32
    %scan3A_2 = arith.constant 80 : i32
    %scan3A_3 = arith.addi %scan3A, %scan3A_2 : i32
    %scan3A_4 = arith.constant 1 : i32
    scf.for %scan3A_45 = %scan3A to %scan3A_3 step %scan3A_4  : i32 {
      %mul3A_46 = arith.constant 1 : i32
      %mul3A_47 = arith.muli %scan3A_45, %mul3A_46 : i32
      %add3A_48 = arith.constant 0 : i32
      %add3A_49 = arith.addi %add3A_48, %mul3A_47 : i32
      %scan3A_50 = arith.constant 0 : i32
      %scan3A_51 = arith.constant 8 : i32
      %scan3A_52 = arith.addi %scan3A_50, %scan3A_51 : i32
      %scan3A_53 = arith.constant 1 : i32
      scf.for %scan3A_55 = %scan3A_50 to %scan3A_52 step %scan3A_53  : i32 {
        %mul3A_56 = arith.constant 1 : i32
        %mul3A_57 = arith.muli %scan3A_55, %mul3A_56 : i32
        %add3A_58 = arith.constant 0 : i32
        %add3A_59 = arith.addi %add3A_58, %mul3A_57 : i32
        %mul3A_60 = arith.constant 16 : i32
        %mul3A_61 = arith.muli %add3A_59, %mul3A_60 : i32
        %swap3A = arith.index_cast %add3A_49 : i32 to index
        %swap3A_62 = arith.index_cast %mul3A_61 : i32 to index
        %swap3A_63 = tpu.vector_load %arg8[%swap3A, %swap3A_62] {strides = array<i32>} : memref<80x128xf32, #tpu.memory_space<vmem>>, vector<16xf32>,
        tpu.vector_store %arg8[%swap3A, %swap3A_62], %broadcast_in_dim3A_1 {strides = array<i32>} : memref<80x128xf32, #tpu.memory_space<vmem>>, vector<16xf32>,
      }
      %scan3A_54 = arith.constant 8 : i32
    }
    %scan3A_5 = arith.constant 80 : i32
    %sub3A = arith.constant 125 : i32
    %sub3A_6 = arith.subi %sub3A, %arg1 : i32
    %sub3A_7 = arith.constant 16 : i32
    %sub3A_8 = arith.constant 1 : i32
    %sub3A_9 = arith.subi %sub3A_7, %sub3A_8 : i32
    %add3A_10 = arith.addi %sub3A_6, %sub3A_9 : i32
    %div3A = arith.constant 16 : i32
    %div3A_11 = arith.divsi %add3A_10, %div3A : i32
    %while3A = arith.constant 16 : i32
    %while3A_12 = arith.constant 0 : i32
    %while3A_13 = arith.subi %div3A_11, %while3A_12 : i32
    %while3A_14 = arith.addi %while3A_12, %while3A_13 : i32
    %while3A_15 = arith.constant 1 : i32
    %while3A_16 = arith.divsi %while3A_13, %while3A_15 : i32
    %while3A_17 = arith.muli %while3A_16, %while3A_15 : i32
    %while3A_18 = arith.addi %while3A_12, %while3A_17 : i32
    %while3A_19 = arith.constant 1 : i32
    scf.for %while3A_45 = %while3A_12 to %while3A_18 step %while3A_19  : i32 {
      %mul3A_46 = arith.muli %while3A_45, %while3A : i32
      %add3A_47 = arith.addi %arg1, %mul3A_46 : i32
      %mul3A_48 = arith.constant 80 : i32
      %mul3A_49 = arith.muli %add3A_47, %mul3A_48 : i32
      "tpu.region"() ({
        %run_scoped3A = tpu.sem_alloc : memref<!tpu.dma_semaphore, #tpu.memory_space<semaphore_mem>>
        %dma_start3A = arith.constant 0 : i32
        %dma_start3A_50 = tpu.memref_slice %arg10[%mul3A_49, %dma_start3A] : memref<10000x128xf32, #tpu.memory_space<vmem_shared>> -> memref<80x128xf32, #tpu.memory_space<vmem_shared>>
        %dma_start3A_51 = arith.constant 0 : i32
        %dma_start3A_52 = tpu.memref_slice %arg10[%mul3A_49, %dma_start3A_51] : memref<10000x128xf32, #tpu.memory_space<vmem_shared>> -> memref<80x128xf32, #tpu.memory_space<vmem_shared>>
        tpu.enqueue_dma source(%arg8 : memref<80x128xf32, #tpu.memory_space<vmem>>) target(%dma_start3A_52 : memref<80x128xf32, #tpu.memory_space<vmem_shared>>) target_semaphore(%run_scoped3A : memref<!tpu.dma_semaphore, #tpu.memory_space<semaphore_mem>>)
        %dma_wait3A = arith.constant 0 : i32
        %dma_wait3A_53 = tpu.memref_slice %arg10[%mul3A_49, %dma_wait3A] : memref<10000x128xf32, #tpu.memory_space<vmem_shared>> -> memref<80x128xf32, #tpu.memory_space<vmem_shared>>
        %dma_wait3A_54 = arith.constant 0 : i32
        %dma_wait3A_55 = tpu.memref_slice %arg10[%mul3A_49, %dma_wait3A_54] : memref<10000x128xf32, #tpu.memory_space<vmem_shared>> -> memref<80x128xf32, #tpu.memory_space<vmem_shared>>
        tpu.wait_dma2 semaphore(%run_scoped3A : memref<!tpu.dma_semaphore, #tpu.memory_space<semaphore_mem>>) src(%arg8 : memref<80x128xf32, #tpu.memory_space<vmem>>) dst(%dma_wait3A_55 : memref<80x128xf32, #tpu.memory_space<vmem_shared>>)
        tpu.yield
      }) : () -> ()
    }
    %while3A_20 = arith.constant 1 : i32
    scf.for %while3A_45 = %while3A_18 to %while3A_14 step %while3A_20  : i32 {
      %mul3A_46 = arith.muli %while3A_45, %while3A : i32
      %add3A_47 = arith.addi %arg1, %mul3A_46 : i32
      %mul3A_48 = arith.constant 80 : i32
      %mul3A_49 = arith.muli %add3A_47, %mul3A_48 : i32
      "tpu.region"() ({
        %run_scoped3A = tpu.sem_alloc : memref<!tpu.dma_semaphore, #tpu.memory_space<semaphore_mem>>
        %dma_start3A = arith.constant 0 : i32
        %dma_start3A_50 = tpu.memref_slice %arg10[%mul3A_49, %dma_start3A] : memref<10000x128xf32, #tpu.memory_space<vmem_shared>> -> memref<80x128xf32, #tpu.memory_space<vmem_shared>>
        %dma_start3A_51 = arith.constant 0 : i32
        %dma_start3A_52 = tpu.memref_slice %arg10[%mul3A_49, %dma_start3A_51] : memref<10000x128xf32, #tpu.memory_space<vmem_shared>> -> memref<80x128xf32, #tpu.memory_space<vmem_shared>>
        tpu.enqueue_dma source(%arg8 : memref<80x128xf32, #tpu.memory_space<vmem>>) target(%dma_start3A_52 : memref<80x128xf32, #tpu.memory_space<vmem_shared>>) target_semaphore(%run_scoped3A : memref<!tpu.dma_semaphore, #tpu.memory_space<semaphore_mem>>)
        %dma_wait3A = arith.constant 0 : i32
        %dma_wait3A_53 = tpu.memref_slice %arg10[%mul3A_49, %dma_wait3A] : memref<10000x128xf32, #tpu.memory_space<vmem_shared>> -> memref<80x128xf32, #tpu.memory_space<vmem_shared>>
        %dma_wait3A_54 = arith.constant 0 : i32
        %dma_wait3A_55 = tpu.memref_slice %arg10[%mul3A_49, %dma_wait3A_54] : memref<10000x128xf32, #tpu.memory_space<vmem_shared>> -> memref<80x128xf32, #tpu.memory_space<vmem_shared>>
        tpu.wait_dma2 semaphore(%run_scoped3A : memref<!tpu.dma_semaphore, #tpu.memory_space<semaphore_mem>>) src(%arg8 : memref<80x128xf32, #tpu.memory_space<vmem>>) dst(%dma_wait3A_55 : memref<80x128xf32, #tpu.memory_space<vmem_shared>>)
        tpu.yield
      }) : () -> ()
    }
    %barrier3A = arith.constant 0 : index
    tpu.barrier barrier_id(%barrier3A)
    %scan3A_21 = arith.constant 0 : i32
    %scan3A_22 = arith.constant 5 : i32
    %scan3A_23 = arith.addi %scan3A_21, %scan3A_22 : i32
    %scan3A_24 = arith.constant 1 : i32
    scf.for %scan3A_45 = %scan3A_21 to %scan3A_23 step %scan3A_24  : i32 {
      %mul3A_46 = arith.constant 1 : i32
      %mul3A_47 = arith.muli %scan3A_45, %mul3A_46 : i32
      %add3A_48 = arith.constant 0 : i32
      %add3A_49 = arith.addi %add3A_48, %mul3A_47 : i32
      "tpu.region"() ({
        %run_scoped3A_67 = tpu.sem_alloc : memref<!tpu.dma_semaphore, #tpu.memory_space<semaphore_mem>>
        %dma_start3A_68 = arith.constant 0 : i32
        %dma_start3A_69 = arith.constant 0 : i32
        %dma_start3A_70 = tpu.memref_slice %arg3[%add3A, %add3A_49, %dma_start3A_68, %dma_start3A_69] : memref<32x5x25x80xi32, #tpu.memory_space<hbm>> -> memref<1x1x25x80xi32, #tpu.memory_space<hbm>>
        %dma_start3A_71 = tpu.memref_squeeze %dma_start3A_70 : memref<1x1x25x80xi32, #tpu.memory_space<hbm>> -> memref<25x80xi32, #tpu.memory_space<hbm>>
        %dma_start3A_72 = arith.constant 0 : i32
        %dma_start3A_73 = arith.constant 0 : i32
        %dma_start3A_74 = tpu.memref_slice %arg3[%add3A, %add3A_49, %dma_start3A_72, %dma_start3A_73] : memref<32x5x25x80xi32, #tpu.memory_space<hbm>> -> memref<1x1x25x80xi32, #tpu.memory_space<hbm>>
        %dma_start3A_75 = tpu.memref_squeeze %dma_start3A_74 : memref<1x1x25x80xi32, #tpu.memory_space<hbm>> -> memref<25x80xi32, #tpu.memory_space<hbm>>
        tpu.enqueue_dma source(%dma_start3A_75 : memref<25x80xi32, #tpu.memory_space<hbm>>) target(%arg6 : memref<25x80xi32, #tpu.memory_space<vmem>>) target_semaphore(%run_scoped3A_67 : memref<!tpu.dma_semaphore, #tpu.memory_space<semaphore_mem>>)
        %dma_wait3A_76 = arith.constant 0 : i32
        %dma_wait3A_77 = arith.constant 0 : i32
        %dma_wait3A_78 = tpu.memref_slice %arg3[%add3A, %add3A_49, %dma_wait3A_76, %dma_wait3A_77] : memref<32x5x25x80xi32, #tpu.memory_space<hbm>> -> memref<1x1x25x80xi32, #tpu.memory_space<hbm>>
        %dma_wait3A_79 = tpu.memref_squeeze %dma_wait3A_78 : memref<1x1x25x80xi32, #tpu.memory_space<hbm>> -> memref<25x80xi32, #tpu.memory_space<hbm>>
        %dma_wait3A_80 = arith.constant 0 : i32
        %dma_wait3A_81 = arith.constant 0 : i32
        %dma_wait3A_82 = tpu.memref_slice %arg3[%add3A, %add3A_49, %dma_wait3A_80, %dma_wait3A_81] : memref<32x5x25x80xi32, #tpu.memory_space<hbm>> -> memref<1x1x25x80xi32, #tpu.memory_space<hbm>>
        %dma_wait3A_83 = tpu.memref_squeeze %dma_wait3A_82 : memref<1x1x25x80xi32, #tpu.memory_space<hbm>> -> memref<25x80xi32, #tpu.memory_space<hbm>>
        tpu.wait_dma2 semaphore(%run_scoped3A_67 : memref<!tpu.dma_semaphore, #tpu.memory_space<semaphore_mem>>) src(%dma_wait3A_83 : memref<25x80xi32, #tpu.memory_space<hbm>>) dst(%arg6 : memref<25x80xi32, #tpu.memory_space<vmem>>)
        tpu.yield
      }) : () -> ()
      "tpu.region"() ({
        %run_scoped3A_67 = tpu.sem_alloc : memref<!tpu.dma_semaphore, #tpu.memory_space<semaphore_mem>>
        %dma_start3A_68 = arith.constant 0 : i32
        %dma_start3A_69 = arith.constant 0 : i32
        %dma_start3A_70 = tpu.memref_slice %arg4[%add3A, %add3A_49, %dma_start3A_68, %dma_start3A_69] : memref<32x5x25x80xi32, #tpu.memory_space<hbm>> -> memref<1x1x25x80xi32, #tpu.memory_space<hbm>>
        %dma_start3A_71 = tpu.memref_squeeze %dma_start3A_70 : memref<1x1x25x80xi32, #tpu.memory_space<hbm>> -> memref<25x80xi32, #tpu.memory_space<hbm>>
        %dma_start3A_72 = arith.constant 0 : i32
        %dma_start3A_73 = arith.constant 0 : i32
        %dma_start3A_74 = tpu.memref_slice %arg4[%add3A, %add3A_49, %dma_start3A_72, %dma_start3A_73] : memref<32x5x25x80xi32, #tpu.memory_space<hbm>> -> memref<1x1x25x80xi32, #tpu.memory_space<hbm>>
        %dma_start3A_75 = tpu.memref_squeeze %dma_start3A_74 : memref<1x1x25x80xi32, #tpu.memory_space<hbm>> -> memref<25x80xi32, #tpu.memory_space<hbm>>
        tpu.enqueue_dma source(%dma_start3A_75 : memref<25x80xi32, #tpu.memory_space<hbm>>) target(%arg7 : memref<25x80xi32, #tpu.memory_space<vmem>>) target_semaphore(%run_scoped3A_67 : memref<!tpu.dma_semaphore, #tpu.memory_space<semaphore_mem>>)
        %dma_wait3A_76 = arith.constant 0 : i32
        %dma_wait3A_77 = arith.constant 0 : i32
        %dma_wait3A_78 = tpu.memref_slice %arg4[%add3A, %add3A_49, %dma_wait3A_76, %dma_wait3A_77] : memref<32x5x25x80xi32, #tpu.memory_space<hbm>> -> memref<1x1x25x80xi32, #tpu.memory_space<hbm>>
        %dma_wait3A_79 = tpu.memref_squeeze %dma_wait3A_78 : memref<1x1x25x80xi32, #tpu.memory_space<hbm>> -> memref<25x80xi32, #tpu.memory_space<hbm>>
        %dma_wait3A_80 = arith.constant 0 : i32
        %dma_wait3A_81 = arith.constant 0 : i32
        %dma_wait3A_82 = tpu.memref_slice %arg4[%add3A, %add3A_49, %dma_wait3A_80, %dma_wait3A_81] : memref<32x5x25x80xi32, #tpu.memory_space<hbm>> -> memref<1x1x25x80xi32, #tpu.memory_space<hbm>>
        %dma_wait3A_83 = tpu.memref_squeeze %dma_wait3A_82 : memref<1x1x25x80xi32, #tpu.memory_space<hbm>> -> memref<25x80xi32, #tpu.memory_space<hbm>>
        tpu.wait_dma2 semaphore(%run_scoped3A_67 : memref<!tpu.dma_semaphore, #tpu.memory_space<semaphore_mem>>) src(%dma_wait3A_83 : memref<25x80xi32, #tpu.memory_space<hbm>>) dst(%arg7 : memref<25x80xi32, #tpu.memory_space<vmem>>)
        tpu.yield
      }) : () -> ()
      %dma_start3A = arith.constant 0 : i32
      %dma_start3A_50 = arith.constant 0 : i32
      %dma_start3A_51 = tpu.memref_slice %arg6[%dma_start3A, %dma_start3A_50] : memref<25x80xi32, #tpu.memory_space<vmem>> -> memref<1x80xi32, #tpu.memory_space<vmem>>
      %dma_start3A_52 = tpu.memref_squeeze %dma_start3A_51 : memref<1x80xi32, #tpu.memory_space<vmem>> -> memref<80xi32, #tpu.memory_space<vmem>>
      %dma_start3A_53 = arith.constant 0 : i32
      %dma_start3A_54 = arith.constant 0 : i32
      %dma_start3A_55 = tpu.memref_slice %arg2[%dma_start3A_53, %dma_start3A_54] : memref<10240x128xf32, #tpu.memory_space<hbm>> -> memref<10240x128xf32, #tpu.memory_space<hbm>>
      tpu.enqueue_indirect_dma source(%dma_start3A_55 : memref<10240x128xf32, #tpu.memory_space<hbm>>) target(%arg8 : memref<80x128xf32, #tpu.memory_space<vmem>>) offsets(%dma_start3A_52 : memref<80xi32, #tpu.memory_space<vmem>>) semaphore(%arg11 : memref<!tpu.dma_semaphore, #tpu.memory_space<semaphore_mem>>)
      %scan3A_56 = arith.constant 0 : i32
      %scan3A_57 = arith.constant 12 : i32
      %scan3A_58 = arith.addi %scan3A_56, %scan3A_57 : i32
      %scan3A_59 = arith.constant 1 : i32
      scf.for %scan3A_67 = %scan3A_56 to %scan3A_58 step %scan3A_59  : i32 {
        %mul3A_68 = arith.constant 2 : i32
        %mul3A_69 = arith.muli %scan3A_67, %mul3A_68 : i32
        %add3A_70 = arith.constant 0 : i32
        %add3A_71 = arith.addi %add3A_70, %mul3A_69 : i32
        %add3A_72 = arith.constant 1 : i32
        %add3A_73 = arith.addi %add3A_71, %add3A_72 : i32
        %dma_start3A_74 = arith.constant 0 : i32
        %dma_start3A_75 = tpu.memref_slice %arg6[%add3A_73, %dma_start3A_74] : memref<25x80xi32, #tpu.memory_space<vmem>> -> memref<1x80xi32, #tpu.memory_space<vmem>>
        %dma_start3A_76 = tpu.memref_squeeze %dma_start3A_75 : memref<1x80xi32, #tpu.memory_space<vmem>> -> memref<80xi32, #tpu.memory_space<vmem>>
        %dma_start3A_77 = arith.constant 0 : i32
        %dma_start3A_78 = arith.constant 0 : i32
        %dma_start3A_79 = tpu.memref_slice %arg2[%dma_start3A_77, %dma_start3A_78] : memref<10240x128xf32, #tpu.memory_space<hbm>> -> memref<10240x128xf32, #tpu.memory_space<hbm>>
        tpu.enqueue_indirect_dma source(%dma_start3A_79 : memref<10240x128xf32, #tpu.memory_space<hbm>>) target(%arg9 : memref<80x128xf32, #tpu.memory_space<vmem>>) offsets(%dma_start3A_76 : memref<80xi32, #tpu.memory_space<vmem>>) semaphore(%arg12 : memref<!tpu.dma_semaphore, #tpu.memory_space<semaphore_mem>>)
        %dma_wait3A_80 = arith.constant 0 : i32
        %dma_wait3A_81 = tpu.memref_slice %arg6[%add3A_71, %dma_wait3A_80] : memref<25x80xi32, #tpu.memory_space<vmem>> -> memref<1x80xi32, #tpu.memory_space<vmem>>
        %dma_wait3A_82 = tpu.memref_squeeze %dma_wait3A_81 : memref<1x80xi32, #tpu.memory_space<vmem>> -> memref<80xi32, #tpu.memory_space<vmem>>
        %dma_wait3A_83 = arith.constant 0 : i32
        %dma_wait3A_84 = arith.constant 0 : i32
        %dma_wait3A_85 = tpu.memref_slice %arg2[%dma_wait3A_83, %dma_wait3A_84] : memref<10240x128xf32, #tpu.memory_space<hbm>> -> memref<10240x128xf32, #tpu.memory_space<hbm>>
        tpu.wait_indirect_dma semaphore(%arg11 : memref<!tpu.dma_semaphore, #tpu.memory_space<semaphore_mem>>) src(%dma_wait3A_85 : memref<10240x128xf32, #tpu.memory_space<hbm>>) dst(%arg8 : memref<80x128xf32, #tpu.memory_space<vmem>>)
        "tpu.region"() ({
          %run_scoped3A_104 = tpu.sem_alloc : memref<!tpu.dma_semaphore, #tpu.memory_space<semaphore_mem>>
          %dma_start3A_105 = arith.constant 0 : i32
          %dma_start3A_106 = tpu.memref_slice %arg7[%add3A_71, %dma_start3A_105] : memref<25x80xi32, #tpu.memory_space<vmem>> -> memref<1x80xi32, #tpu.memory_space<vmem>>
          %dma_start3A_107 = tpu.memref_squeeze %dma_start3A_106 : memref<1x80xi32, #tpu.memory_space<vmem>> -> memref<80xi32, #tpu.memory_space<vmem>>
          %dma_start3A_108 = arith.constant 0 : i32
          %dma_start3A_109 = arith.constant 0 : i32
          %dma_start3A_110 = tpu.memref_slice %arg10[%dma_start3A_108, %dma_start3A_109] : memref<10000x128xf32, #tpu.memory_space<vmem_shared>> -> memref<10000x128xf32, #tpu.memory_space<vmem_shared>>
          tpu.enqueue_indirect_dma source(%arg8 : memref<80x128xf32, #tpu.memory_space<vmem>>) target(%dma_start3A_110 : memref<10000x128xf32, #tpu.memory_space<vmem_shared>>) offsets(%dma_start3A_107 : memref<80xi32, #tpu.memory_space<vmem>>) semaphore(%run_scoped3A_104 : memref<!tpu.dma_semaphore, #tpu.memory_space<semaphore_mem>>) {add = true}
          %dma_wait3A_111 = arith.constant 0 : i32
          %dma_wait3A_112 = tpu.memref_slice %arg7[%add3A_71, %dma_wait3A_111] : memref<25x80xi32, #tpu.memory_space<vmem>> -> memref<1x80xi32, #tpu.memory_space<vmem>>
          %dma_wait3A_113 = tpu.memref_squeeze %dma_wait3A_112 : memref<1x80xi32, #tpu.memory_space<vmem>> -> memref<80xi32, #tpu.memory_space<vmem>>
          %dma_wait3A_114 = arith.constant 0 : i32
          %dma_wait3A_115 = arith.constant 0 : i32
          %dma_wait3A_116 = tpu.memref_slice %arg10[%dma_wait3A_114, %dma_wait3A_115] : memref<10000x128xf32, #tpu.memory_space<vmem_shared>> -> memref<10000x128xf32, #tpu.memory_space<vmem_shared>>
          tpu.wait_indirect_dma semaphore(%run_scoped3A_104 : memref<!tpu.dma_semaphore, #tpu.memory_space<semaphore_mem>>) src(%arg8 : memref<80x128xf32, #tpu.memory_space<vmem>>) dst(%dma_wait3A_116 : memref<10000x128xf32, #tpu.memory_space<vmem_shared>>)
          tpu.yield
        }) : () -> ()
        %add3A_86 = arith.constant 2 : i32
        %add3A_87 = arith.addi %add3A_71, %add3A_86 : i32
        %dma_start3A_88 = arith.constant 0 : i32
        %dma_start3A_89 = tpu.memref_slice %arg6[%add3A_87, %dma_start3A_88] : memref<25x80xi32, #tpu.memory_space<vmem>> -> memref<1x80xi32, #tpu.memory_space<vmem>>
        %dma_start3A_90 = tpu.memref_squeeze %dma_start3A_89 : memref<1x80xi32, #tpu.memory_space<vmem>> -> memref<80xi32, #tpu.memory_space<vmem>>
        %dma_start3A_91 = arith.constant 0 : i32
        %dma_start3A_92 = arith.constant 0 : i32
        %dma_start3A_93 = tpu.memref_slice %arg2[%dma_start3A_91, %dma_start3A_92] : memref<10240x128xf32, #tpu.memory_space<hbm>> -> memref<10240x128xf32, #tpu.memory_space<hbm>>
        tpu.enqueue_indirect_dma source(%dma_start3A_93 : memref<10240x128xf32, #tpu.memory_space<hbm>>) target(%arg8 : memref<80x128xf32, #tpu.memory_space<vmem>>) offsets(%dma_start3A_90 : memref<80xi32, #tpu.memory_space<vmem>>) semaphore(%arg11 : memref<!tpu.dma_semaphore, #tpu.memory_space<semaphore_mem>>)
        %add3A_94 = arith.constant 1 : i32
        %add3A_95 = arith.addi %add3A_71, %add3A_94 : i32
        %dma_wait3A_96 = arith.constant 0 : i32
        %dma_wait3A_97 = tpu.memref_slice %arg6[%add3A_95, %dma_wait3A_96] : memref<25x80xi32, #tpu.memory_space<vmem>> -> memref<1x80xi32, #tpu.memory_space<vmem>>
        %dma_wait3A_98 = tpu.memref_squeeze %dma_wait3A_97 : memref<1x80xi32, #tpu.memory_space<vmem>> -> memref<80xi32, #tpu.memory_space<vmem>>
        %dma_wait3A_99 = arith.constant 0 : i32
        %dma_wait3A_100 = arith.constant 0 : i32
        %dma_wait3A_101 = tpu.memref_slice %arg2[%dma_wait3A_99, %dma_wait3A_100] : memref<10240x128xf32, #tpu.memory_space<hbm>> -> memref<10240x128xf32, #tpu.memory_space<hbm>>
        tpu.wait_indirect_dma semaphore(%arg12 : memref<!tpu.dma_semaphore, #tpu.memory_space<semaphore_mem>>) src(%dma_wait3A_101 : memref<10240x128xf32, #tpu.memory_space<hbm>>) dst(%arg9 : memref<80x128xf32, #tpu.memory_space<vmem>>)
        %add3A_102 = arith.constant 1 : i32
        %add3A_103 = arith.addi %add3A_71, %add3A_102 : i32
        "tpu.region"() ({
          %run_scoped3A_104 = tpu.sem_alloc : memref<!tpu.dma_semaphore, #tpu.memory_space<semaphore_mem>>
          %dma_start3A_105 = arith.constant 0 : i32
          %dma_start3A_106 = tpu.memref_slice %arg7[%add3A_103, %dma_start3A_105] : memref<25x80xi32, #tpu.memory_space<vmem>> -> memref<1x80xi32, #tpu.memory_space<vmem>>
          %dma_start3A_107 = tpu.memref_squeeze %dma_start3A_106 : memref<1x80xi32, #tpu.memory_space<vmem>> -> memref<80xi32, #tpu.memory_space<vmem>>
          %dma_start3A_108 = arith.constant 0 : i32
          %dma_start3A_109 = arith.constant 0 : i32
          %dma_start3A_110 = tpu.memref_slice %arg10[%dma_start3A_108, %dma_start3A_109] : memref<10000x128xf32, #tpu.memory_space<vmem_shared>> -> memref<10000x128xf32, #tpu.memory_space<vmem_shared>>
          tpu.enqueue_indirect_dma source(%arg9 : memref<80x128xf32, #tpu.memory_space<vmem>>) target(%dma_start3A_110 : memref<10000x128xf32, #tpu.memory_space<vmem_shared>>) offsets(%dma_start3A_107 : memref<80xi32, #tpu.memory_space<vmem>>) semaphore(%run_scoped3A_104 : memref<!tpu.dma_semaphore, #tpu.memory_space<semaphore_mem>>) {add = true}
          %dma_wait3A_111 = arith.constant 0 : i32
          %dma_wait3A_112 = tpu.memref_slice %arg7[%add3A_103, %dma_wait3A_111] : memref<25x80xi32, #tpu.memory_space<vmem>> -> memref<1x80xi32, #tpu.memory_space<vmem>>
          %dma_wait3A_113 = tpu.memref_squeeze %dma_wait3A_112 : memref<1x80xi32, #tpu.memory_space<vmem>> -> memref<80xi32, #tpu.memory_space<vmem>>
          %dma_wait3A_114 = arith.constant 0 : i32
          %dma_wait3A_115 = arith.constant 0 : i32
          %dma_wait3A_116 = tpu.memref_slice %arg10[%dma_wait3A_114, %dma_wait3A_115] : memref<10000x128xf32, #tpu.memory_space<vmem_shared>> -> memref<10000x128xf32, #tpu.memory_space<vmem_shared>>
          tpu.wait_indirect_dma semaphore(%run_scoped3A_104 : memref<!tpu.dma_semaphore, #tpu.memory_space<semaphore_mem>>) src(%arg9 : memref<80x128xf32, #tpu.memory_space<vmem>>) dst(%dma_wait3A_116 : memref<10000x128xf32, #tpu.memory_space<vmem_shared>>)
          tpu.yield
        }) : () -> ()
      }
      %scan3A_60 = arith.constant 12 : i32
      %dma_wait3A = arith.constant 24 : i32
      %dma_wait3A_61 = arith.constant 0 : i32
      %dma_wait3A_62 = tpu.memref_slice %arg6[%dma_wait3A, %dma_wait3A_61] : memref<25x80xi32, #tpu.memory_space<vmem>> -> memref<1x80xi32, #tpu.memory_space<vmem>>
      %dma_wait3A_63 = tpu.memref_squeeze %dma_wait3A_62 : memref<1x80xi32, #tpu.memory_space<vmem>> -> memref<80xi32, #tpu.memory_space<vmem>>
      %dma_wait3A_64 = arith.constant 0 : i32
      %dma_wait3A_65 = arith.constant 0 : i32
      %dma_wait3A_66 = tpu.memref_slice %arg2[%dma_wait3A_64, %dma_wait3A_65] : memref<10240x128xf32, #tpu.memory_space<hbm>> -> memref<10240x128xf32, #tpu.memory_space<hbm>>
      tpu.wait_indirect_dma semaphore(%arg11 : memref<!tpu.dma_semaphore, #tpu.memory_space<semaphore_mem>>) src(%dma_wait3A_66 : memref<10240x128xf32, #tpu.memory_space<hbm>>) dst(%arg8 : memref<80x128xf32, #tpu.memory_space<vmem>>)
      %run_scoped3A = arith.constant 24 : i32
      "tpu.region"() ({
        %run_scoped3A_67 = tpu.sem_alloc : memref<!tpu.dma_semaphore, #tpu.memory_space<semaphore_mem>>
        %dma_start3A_68 = arith.constant 0 : i32
        %dma_start3A_69 = tpu.memref_slice %arg7[%run_scoped3A, %dma_start3A_68] : memref<25x80xi32, #tpu.memory_space<vmem>> -> memref<1x80xi32, #tpu.memory_space<vmem>>
        %dma_start3A_70 = tpu.memref_squeeze %dma_start3A_69 : memref<1x80xi32, #tpu.memory_space<vmem>> -> memref<80xi32, #tpu.memory_space<vmem>>
        %dma_start3A_71 = arith.constant 0 : i32
        %dma_start3A_72 = arith.constant 0 : i32
        %dma_start3A_73 = tpu.memref_slice %arg10[%dma_start3A_71, %dma_start3A_72] : memref<10000x128xf32, #tpu.memory_space<vmem_shared>> -> memref<10000x128xf32, #tpu.memory_space<vmem_shared>>
        tpu.enqueue_indirect_dma source(%arg8 : memref<80x128xf32, #tpu.memory_space<vmem>>) target(%dma_start3A_73 : memref<10000x128xf32, #tpu.memory_space<vmem_shared>>) offsets(%dma_start3A_70 : memref<80xi32, #tpu.memory_space<vmem>>) semaphore(%run_scoped3A_67 : memref<!tpu.dma_semaphore, #tpu.memory_space<semaphore_mem>>) {add = true}
        %dma_wait3A_74 = arith.constant 0 : i32
        %dma_wait3A_75 = tpu.memref_slice %arg7[%run_scoped3A, %dma_wait3A_74] : memref<25x80xi32, #tpu.memory_space<vmem>> -> memref<1x80xi32, #tpu.memory_space<vmem>>
        %dma_wait3A_76 = tpu.memref_squeeze %dma_wait3A_75 : memref<1x80xi32, #tpu.memory_space<vmem>> -> memref<80xi32, #tpu.memory_space<vmem>>
        %dma_wait3A_77 = arith.constant 0 : i32
        %dma_wait3A_78 = arith.constant 0 : i32
        %dma_wait3A_79 = tpu.memref_slice %arg10[%dma_wait3A_77, %dma_wait3A_78] : memref<10000x128xf32, #tpu.memory_space<vmem_shared>> -> memref<10000x128xf32, #tpu.memory_space<vmem_shared>>
        tpu.wait_indirect_dma semaphore(%run_scoped3A_67 : memref<!tpu.dma_semaphore, #tpu.memory_space<semaphore_mem>>) src(%arg8 : memref<80x128xf32, #tpu.memory_space<vmem>>) dst(%dma_wait3A_79 : memref<10000x128xf32, #tpu.memory_space<vmem_shared>>)
        tpu.yield
      }) : () -> ()
    }
    %scan3A_25 = arith.constant 5 : i32
    %barrier3A_26 = arith.constant 0 : index
    tpu.barrier barrier_id(%barrier3A_26)
    %sub3A_27 = arith.constant 125 : i32
    %sub3A_28 = arith.subi %sub3A_27, %arg1 : i32
    %sub3A_29 = arith.constant 16 : i32
    %sub3A_30 = arith.constant 1 : i32
    %sub3A_31 = arith.subi %sub3A_29, %sub3A_30 : i32
    %add3A_32 = arith.addi %sub3A_28, %sub3A_31 : i32
    %div3A_33 = arith.constant 16 : i32
    %div3A_34 = arith.divsi %add3A_32, %div3A_33 : i32
    %while3A_35 = arith.constant 16 : i32
    %while3A_36 = arith.constant 0 : i32
    %while3A_37 = arith.subi %div3A_34, %while3A_36 : i32
    %while3A_38 = arith.addi %while3A_36, %while3A_37 : i32
    %while3A_39 = arith.constant 1 : i32
    %while3A_40 = arith.divsi %while3A_37, %while3A_39 : i32
    %while3A_41 = arith.muli %while3A_40, %while3A_39 : i32
    %while3A_42 = arith.addi %while3A_36, %while3A_41 : i32
    %while3A_43 = arith.constant 1 : i32
    scf.for %while3A_45 = %while3A_36 to %while3A_42 step %while3A_43  : i32 {
      %mul3A_46 = arith.muli %while3A_45, %while3A_35 : i32
      %add3A_47 = arith.addi %arg1, %mul3A_46 : i32
      %mul3A_48 = arith.constant 80 : i32
      %mul3A_49 = arith.muli %add3A_47, %mul3A_48 : i32
      %mul3A_50 = arith.constant 80 : i32
      %mul3A_51 = arith.muli %add3A_47, %mul3A_50 : i32
      "tpu.region"() ({
        %run_scoped3A = tpu.sem_alloc : memref<!tpu.dma_semaphore, #tpu.memory_space<semaphore_mem>>
        %dma_start3A = arith.constant 0 : i32
        %dma_start3A_52 = tpu.memref_slice %arg5[%arg0, %mul3A_51, %dma_start3A] : memref<2x10240x128xf32, #tpu.memory_space<hbm>> -> memref<1x80x128xf32, #tpu.memory_space<hbm>>
        %dma_start3A_53 = tpu.memref_squeeze %dma_start3A_52 : memref<1x80x128xf32, #tpu.memory_space<hbm>> -> memref<80x128xf32, #tpu.memory_space<hbm>>
        %dma_start3A_54 = arith.constant 0 : i32
        %dma_start3A_55 = tpu.memref_slice %arg10[%mul3A_49, %dma_start3A_54] : memref<10000x128xf32, #tpu.memory_space<vmem_shared>> -> memref<80x128xf32, #tpu.memory_space<vmem_shared>>
        tpu.enqueue_dma source(%dma_start3A_55 : memref<80x128xf32, #tpu.memory_space<vmem_shared>>) target(%dma_start3A_53 : memref<80x128xf32, #tpu.memory_space<hbm>>) target_semaphore(%run_scoped3A : memref<!tpu.dma_semaphore, #tpu.memory_space<semaphore_mem>>)
        %dma_wait3A = arith.constant 0 : i32
        %dma_wait3A_56 = tpu.memref_slice %arg5[%arg0, %mul3A_51, %dma_wait3A] : memref<2x10240x128xf32, #tpu.memory_space<hbm>> -> memref<1x80x128xf32, #tpu.memory_space<hbm>>
        %dma_wait3A_57 = tpu.memref_squeeze %dma_wait3A_56 : memref<1x80x128xf32, #tpu.memory_space<hbm>> -> memref<80x128xf32, #tpu.memory_space<hbm>>
        %dma_wait3A_58 = arith.constant 0 : i32
        %dma_wait3A_59 = tpu.memref_slice %arg10[%mul3A_49, %dma_wait3A_58] : memref<10000x128xf32, #tpu.memory_space<vmem_shared>> -> memref<80x128xf32, #tpu.memory_space<vmem_shared>>
        tpu.wait_dma2 semaphore(%run_scoped3A : memref<!tpu.dma_semaphore, #tpu.memory_space<semaphore_mem>>) src(%dma_wait3A_59 : memref<80x128xf32, #tpu.memory_space<vmem_shared>>) dst(%dma_wait3A_57 : memref<80x128xf32, #tpu.memory_space<hbm>>)
        tpu.yield
      }) : () -> ()
    }
    %while3A_44 = arith.constant 1 : i32
    scf.for %while3A_45 = %while3A_42 to %while3A_38 step %while3A_44  : i32 {
      %mul3A_46 = arith.muli %while3A_45, %while3A_35 : i32
      %add3A_47 = arith.addi %arg1, %mul3A_46 : i32
      %mul3A_48 = arith.constant 80 : i32
      %mul3A_49 = arith.muli %add3A_47, %mul3A_48 : i32
      %mul3A_50 = arith.constant 80 : i32
      %mul3A_51 = arith.muli %add3A_47, %mul3A_50 : i32
      "tpu.region"() ({
        %run_scoped3A = tpu.sem_alloc : memref<!tpu.dma_semaphore, #tpu.memory_space<semaphore_mem>>
        %dma_start3A = arith.constant 0 : i32
        %dma_start3A_52 = tpu.memref_slice %arg5[%arg0, %mul3A_51, %dma_start3A] : memref<2x10240x128xf32, #tpu.memory_space<hbm>> -> memref<1x80x128xf32, #tpu.memory_space<hbm>>
        %dma_start3A_53 = tpu.memref_squeeze %dma_start3A_52 : memref<1x80x128xf32, #tpu.memory_space<hbm>> -> memref<80x128xf32, #tpu.memory_space<hbm>>
        %dma_start3A_54 = arith.constant 0 : i32
        %dma_start3A_55 = tpu.memref_slice %arg10[%mul3A_49, %dma_start3A_54] : memref<10000x128xf32, #tpu.memory_space<vmem_shared>> -> memref<80x128xf32, #tpu.memory_space<vmem_shared>>
        tpu.enqueue_dma source(%dma_start3A_55 : memref<80x128xf32, #tpu.memory_space<vmem_shared>>) target(%dma_start3A_53 : memref<80x128xf32, #tpu.memory_space<hbm>>) target_semaphore(%run_scoped3A : memref<!tpu.dma_semaphore, #tpu.memory_space<semaphore_mem>>)
        %dma_wait3A = arith.constant 0 : i32
        %dma_wait3A_56 = tpu.memref_slice %arg5[%arg0, %mul3A_51, %dma_wait3A] : memref<2x10240x128xf32, #tpu.memory_space<hbm>> -> memref<1x80x128xf32, #tpu.memory_space<hbm>>
        %dma_wait3A_57 = tpu.memref_squeeze %dma_wait3A_56 : memref<1x80x128xf32, #tpu.memory_space<hbm>> -> memref<80x128xf32, #tpu.memory_space<hbm>>
        %dma_wait3A_58 = arith.constant 0 : i32
        %dma_wait3A_59 = tpu.memref_slice %arg10[%mul3A_49, %dma_wait3A_58] : memref<10000x128xf32, #tpu.memory_space<vmem_shared>> -> memref<80x128xf32, #tpu.memory_space<vmem_shared>>
        tpu.wait_dma2 semaphore(%run_scoped3A : memref<!tpu.dma_semaphore, #tpu.memory_space<semaphore_mem>>) src(%dma_wait3A_59 : memref<80x128xf32, #tpu.memory_space<vmem_shared>>) dst(%dma_wait3A_57 : memref<80x128xf32, #tpu.memory_space<hbm>>)
        tpu.yield
      }) : () -> ()
    }
    return
  }
}

module attributes {stable_mosaic.version = 14 : i64} {
  func.func @_mm_body(%arg0: i32, %arg1: memref<1024x128xf32, #tpu.memory_space<vmem>>, %arg2: memref<128x128xf32, #tpu.memory_space<vmem>>, %arg3: memref<1024x128xf32, #tpu.memory_space<vmem>>) attributes {dimension_semantics = [#tpu.dimension_semantics<arbitrary>], iteration_bounds = array<i64: 10>, scalar_prefetch = 0 : i64, scratch_operands = 0 : i64, tpu.core_type = #tpu.core_type<tc>, window_params = [{transform_indices = @transform_0, window_bounds = array<i64: 1024, 128>}, {pipeline_mode = #tpu.pipeline_mode<synchronous>, transform_indices = @transform_1, window_bounds = array<i64: 128, 128>}, {transform_indices = @transform_2, window_bounds = array<i64: 1024, 128>}]} {
    %get3A = arith.constant 0 : index
    %get3A_0 = arith.constant 0 : index
    %get3A_1 = vector.load %arg1[%get3A, %get3A_0] : memref<1024x128xf32, #tpu.memory_space<vmem>>, vector<1024x128xf32>
    %get3A_2 = arith.constant 0 : index
    %get3A_3 = arith.constant 0 : index
    %get3A_4 = vector.load %arg2[%get3A_2, %get3A_3] : memref<128x128xf32, #tpu.memory_space<vmem>>, vector<128x128xf32>
    %dot_general3A = arith.constant dense<0.000000e+00> : vector<1024x128xf32>
    %dot_general3A_5 = tpu.matmul %get3A_1, %get3A_4, %dot_general3A {dimension_numbers = #tpu.dot_dimension_numbers<[1], [0], [0], [1], [0, 0, 1, 1], [], []>, transpose_lhs_hint = false} : vector<1024x128xf32>, vector<128x128xf32>, vector<1024x128xf32> -> vector<1024x128xf32>
    %swap3A = arith.constant 0 : index
    %swap3A_6 = arith.constant 0 : index
    %swap3A_7 = vector.load %arg3[%swap3A, %swap3A_6] : memref<1024x128xf32, #tpu.memory_space<vmem>>, vector<1024x128xf32>
    tpu.vector_store %arg3[%swap3A, %swap3A_6], %dot_general3A_5 {strides = array<i32>} : memref<1024x128xf32, #tpu.memory_space<vmem>>, vector<1024x128xf32>,
    return
  }
  func.func @transform_0(%arg0: i32) -> (i32, i32) {
    %c0_i32 = arith.constant 0 : i32
    %c0_i32_0 = arith.constant 0 : i32
    return %arg0, %c0_i32 : i32, i32
  }
  func.func @transform_1(%arg0: i32) -> (i32, i32) {
    %c0_i32 = arith.constant 0 : i32
    %c0_i32_0 = arith.constant 0 : i32
    %c0_i32_1 = arith.constant 0 : i32
    return %c0_i32, %c0_i32_0 : i32, i32
  }
  func.func @transform_2(%arg0: i32) -> (i32, i32) {
    %c0_i32 = arith.constant 0 : i32
    %c0_i32_0 = arith.constant 0 : i32
    return %arg0, %c0_i32 : i32, i32
  }
}

module attributes {stable_mosaic.version = 14 : i64} {
  func.func @_fuse1_body(%arg0: i32, %arg1: memref<2x1024x128xf32, #tpu.memory_space<vmem>>, %arg2: memref<2x1024x1xf32, #tpu.memory_space<vmem>>, %arg3: memref<1024x128xf32, #tpu.memory_space<vmem>>, %arg4: memref<1x128xf32, #tpu.memory_space<vmem>>, %arg5: memref<1x128xf32, #tpu.memory_space<vmem>>, %arg6: memref<1x128xf32, #tpu.memory_space<vmem>>, %arg7: memref<128x128xf32, #tpu.memory_space<vmem>>, %arg8: memref<1024x128xf32, #tpu.memory_space<vmem>>) attributes {dimension_semantics = [#tpu.dimension_semantics<arbitrary>], iteration_bounds = array<i64: 10>, scalar_prefetch = 0 : i64, scratch_operands = 0 : i64, tpu.core_type = #tpu.core_type<tc>, window_params = [{transform_indices = @transform_0, window_bounds = array<i64: 2, 1024, 128>}, {transform_indices = @transform_1, window_bounds = array<i64: 2, 1024, 1>}, {transform_indices = @transform_2, window_bounds = array<i64: 1024, 128>}, {pipeline_mode = #tpu.pipeline_mode<synchronous>, transform_indices = @transform_3, window_bounds = array<i64: 1, 128>}, {pipeline_mode = #tpu.pipeline_mode<synchronous>, transform_indices = @transform_4, window_bounds = array<i64: 1, 128>}, {pipeline_mode = #tpu.pipeline_mode<synchronous>, transform_indices = @transform_5, window_bounds = array<i64: 1, 128>}, {pipeline_mode = #tpu.pipeline_mode<synchronous>, transform_indices = @transform_6, window_bounds = array<i64: 128, 128>}, {transform_indices = @transform_7, window_bounds = array<i64: 1024, 128>}]} {
    %get3A = arith.constant 0 : index
    %get3A_0 = arith.constant 0 : index
    %get3A_1 = arith.constant 0 : index
    %get3A_2 = vector.load %arg1[%get3A, %get3A_0, %get3A_1] : memref<2x1024x128xf32, #tpu.memory_space<vmem>>, vector<1x1024x128xf32>
    %get3A_3 = vector.shape_cast %get3A_2 : vector<1x1024x128xf32> to vector<1024x128xf32>
    %get3A_4 = arith.constant 1 : index
    %get3A_5 = arith.constant 0 : index
    %get3A_6 = arith.constant 0 : index
    %get3A_7 = vector.load %arg1[%get3A_4, %get3A_5, %get3A_6] : memref<2x1024x128xf32, #tpu.memory_space<vmem>>, vector<1x1024x128xf32>
    %get3A_8 = vector.shape_cast %get3A_7 : vector<1x1024x128xf32> to vector<1024x128xf32>
    %add3A = arith.addf %get3A_3, %get3A_8 : vector<1024x128xf32>
    %get3A_9 = arith.constant 0 : index
    %get3A_10 = arith.constant 0 : index
    %get3A_11 = vector.load %arg3[%get3A_9, %get3A_10] : memref<1024x128xf32, #tpu.memory_space<vmem>>, vector<1024x128xf32>
    %add3A_12 = arith.addf %add3A, %get3A_11 : vector<1024x128xf32>
    %get3A_13 = arith.constant 0 : index
    %get3A_14 = arith.constant 0 : index
    %get3A_15 = arith.constant 0 : index
    %get3A_16 = vector.load %arg2[%get3A_13, %get3A_14, %get3A_15] : memref<2x1024x1xf32, #tpu.memory_space<vmem>>, vector<1x1024x1xf32>
    %get3A_17 = vector.shape_cast %get3A_16 : vector<1x1024x1xf32> to vector<1024x1xf32>
    %get3A_18 = arith.constant 1 : index
    %get3A_19 = arith.constant 0 : index
    %get3A_20 = arith.constant 0 : index
    %get3A_21 = vector.load %arg2[%get3A_18, %get3A_19, %get3A_20] : memref<2x1024x1xf32, #tpu.memory_space<vmem>>, vector<1x1024x1xf32>
    %get3A_22 = vector.shape_cast %get3A_21 : vector<1x1024x1xf32> to vector<1024x1xf32>
    %add3A_23 = arith.addf %get3A_17, %get3A_22 : vector<1024x1xf32>
    %add3A_24 = arith.constant 1.000000e+00 : f32
    %add3A_25 = vector.broadcast %add3A_24 : f32 to vector<1024x1xf32>
    %add3A_26 = arith.addf %add3A_23, %add3A_25 : vector<1024x1xf32>
    %div3A = vector.broadcast %add3A_26 : vector<1024x1xf32> to vector<1024x128xf32>
    %div3A_27 = arith.divf %add3A_12, %div3A : vector<1024x128xf32>
    %get3A_28 = arith.constant 0 : index
    %get3A_29 = arith.constant 0 : index
    %get3A_30 = vector.load %arg4[%get3A_28, %get3A_29] : memref<1x128xf32, #tpu.memory_space<vmem>>, vector<1x128xf32>
    %add3A_31 = vector.broadcast %get3A_30 : vector<1x128xf32> to vector<1024x128xf32>
    %add3A_32 = arith.addf %div3A_27, %add3A_31 : vector<1024x128xf32>
    %reduce_sum3A = arith.constant dense<0.000000e+00> : vector<1024xf32>
    %reduce_sum3A_33 = vector.multi_reduction <add>, %add3A_32, %reduce_sum3A [1] : vector<1024x128xf32> to vector<1024xf32>
    %broadcast_in_dim3A = vector.shape_cast %reduce_sum3A_33 : vector<1024xf32> to vector<1024x1xf32>
    %div3A_34 = arith.constant 1.280000e+02 : f32
    %div3A_35 = vector.broadcast %div3A_34 : f32 to vector<1024x1xf32>
    %div3A_36 = arith.divf %broadcast_in_dim3A, %div3A_35 : vector<1024x1xf32>
    %sub3A = vector.broadcast %div3A_36 : vector<1024x1xf32> to vector<1024x128xf32>
    %sub3A_37 = arith.subf %add3A_32, %sub3A : vector<1024x128xf32>
    %integer_pow3A = arith.mulf %sub3A_37, %sub3A_37 : vector<1024x128xf32>
    %reduce_sum3A_38 = arith.constant dense<0.000000e+00> : vector<1024xf32>
    %reduce_sum3A_39 = vector.multi_reduction <add>, %integer_pow3A, %reduce_sum3A_38 [1] : vector<1024x128xf32> to vector<1024xf32>
    %broadcast_in_dim3A_40 = vector.shape_cast %reduce_sum3A_39 : vector<1024xf32> to vector<1024x1xf32>
    %div3A_41 = arith.constant 1.280000e+02 : f32
    %div3A_42 = vector.broadcast %div3A_41 : f32 to vector<1024x1xf32>
    %div3A_43 = arith.divf %broadcast_in_dim3A_40, %div3A_42 : vector<1024x1xf32>
    %sub3A_44 = vector.broadcast %div3A_36 : vector<1024x1xf32> to vector<1024x128xf32>
    %sub3A_45 = arith.subf %add3A_32, %sub3A_44 : vector<1024x128xf32>
    %add3A_46 = arith.constant 9.99999974E-6 : f32
    %add3A_47 = vector.broadcast %add3A_46 : f32 to vector<1024x1xf32>
    %add3A_48 = arith.addf %div3A_43, %add3A_47 : vector<1024x1xf32>
    %rsqrt3A = math.rsqrt %add3A_48 : vector<1024x1xf32>
    %mul3A = vector.broadcast %rsqrt3A : vector<1024x1xf32> to vector<1024x128xf32>
    %mul3A_49 = arith.mulf %sub3A_45, %mul3A : vector<1024x128xf32>
    %get3A_50 = arith.constant 0 : index
    %get3A_51 = arith.constant 0 : index
    %get3A_52 = vector.load %arg5[%get3A_50, %get3A_51] : memref<1x128xf32, #tpu.memory_space<vmem>>, vector<1x128xf32>
    %mul3A_53 = vector.broadcast %get3A_52 : vector<1x128xf32> to vector<1024x128xf32>
    %mul3A_54 = arith.mulf %mul3A_49, %mul3A_53 : vector<1024x128xf32>
    %get3A_55 = arith.constant 0 : index
    %get3A_56 = arith.constant 0 : index
    %get3A_57 = vector.load %arg6[%get3A_55, %get3A_56] : memref<1x128xf32, #tpu.memory_space<vmem>>, vector<1x128xf32>
    %add3A_58 = vector.broadcast %get3A_57 : vector<1x128xf32> to vector<1024x128xf32>
    %add3A_59 = arith.addf %mul3A_54, %add3A_58 : vector<1024x128xf32>
    %max3A = arith.constant 0.000000e+00 : f32
    %max3A_60 = vector.broadcast %max3A : f32 to vector<1024x128xf32>
    %max3A_61 = arith.maximumf %add3A_59, %max3A_60 : vector<1024x128xf32>
    %get3A_62 = arith.constant 0 : index
    %get3A_63 = arith.constant 0 : index
    %get3A_64 = vector.load %arg7[%get3A_62, %get3A_63] : memref<128x128xf32, #tpu.memory_space<vmem>>, vector<128x128xf32>
    %dot_general3A = arith.constant dense<0.000000e+00> : vector<1024x128xf32>
    %dot_general3A_65 = tpu.matmul %max3A_61, %get3A_64, %dot_general3A {dimension_numbers = #tpu.dot_dimension_numbers<[1], [0], [0], [1], [0, 0, 1, 1], [], []>, transpose_lhs_hint = false} : vector<1024x128xf32>, vector<128x128xf32>, vector<1024x128xf32> -> vector<1024x128xf32>
    %swap3A = arith.constant 0 : index
    %swap3A_66 = arith.constant 0 : index
    %swap3A_67 = vector.load %arg8[%swap3A, %swap3A_66] : memref<1024x128xf32, #tpu.memory_space<vmem>>, vector<1024x128xf32>
    tpu.vector_store %arg8[%swap3A, %swap3A_66], %dot_general3A_65 {strides = array<i32>} : memref<1024x128xf32, #tpu.memory_space<vmem>>, vector<1024x128xf32>,
    return
  }
  func.func @transform_0(%arg0: i32) -> (i32, i32, i32) {
    %c0_i32 = arith.constant 0 : i32
    %c0_i32_0 = arith.constant 0 : i32
    %c0_i32_1 = arith.constant 0 : i32
    return %c0_i32, %arg0, %c0_i32_0 : i32, i32, i32
  }
  func.func @transform_1(%arg0: i32) -> (i32, i32, i32) {
    %c0_i32 = arith.constant 0 : i32
    %c0_i32_0 = arith.constant 0 : i32
    %c0_i32_1 = arith.constant 0 : i32
    return %c0_i32, %arg0, %c0_i32_0 : i32, i32, i32
  }
  func.func @transform_2(%arg0: i32) -> (i32, i32) {
    %c0_i32 = arith.constant 0 : i32
    %c0_i32_0 = arith.constant 0 : i32
    return %arg0, %c0_i32 : i32, i32
  }
  func.func @transform_3(%arg0: i32) -> (i32, i32) {
    %c0_i32 = arith.constant 0 : i32
    %c0_i32_0 = arith.constant 0 : i32
    %c0_i32_1 = arith.constant 0 : i32
    return %c0_i32, %c0_i32_0 : i32, i32
  }
  func.func @transform_4(%arg0: i32) -> (i32, i32) {
    %c0_i32 = arith.constant 0 : i32
    %c0_i32_0 = arith.constant 0 : i32
    %c0_i32_1 = arith.constant 0 : i32
    return %c0_i32, %c0_i32_0 : i32, i32
  }
  func.func @transform_5(%arg0: i32) -> (i32, i32) {
    %c0_i32 = arith.constant 0 : i32
    %c0_i32_0 = arith.constant 0 : i32
    %c0_i32_1 = arith.constant 0 : i32
    return %c0_i32, %c0_i32_0 : i32, i32
  }
  func.func @transform_6(%arg0: i32) -> (i32, i32) {
    %c0_i32 = arith.constant 0 : i32
    %c0_i32_0 = arith.constant 0 : i32
    %c0_i32_1 = arith.constant 0 : i32
    return %c0_i32, %c0_i32_0 : i32, i32
  }
  func.func @transform_7(%arg0: i32) -> (i32, i32) {
    %c0_i32 = arith.constant 0 : i32
    %c0_i32_0 = arith.constant 0 : i32
    return %arg0, %c0_i32 : i32, i32
  }
}

module attributes {stable_mosaic.version = 14 : i64} {
  func.func @_fuse2_body(%arg0: i32, %arg1: memref<2x1024x128xf32, #tpu.memory_space<vmem>>, %arg2: memref<2x1024x1xf32, #tpu.memory_space<vmem>>, %arg3: memref<1024x128xf32, #tpu.memory_space<vmem>>, %arg4: memref<1x128xf32, #tpu.memory_space<vmem>>, %arg5: memref<1024x128xf32, #tpu.memory_space<vmem>>) attributes {dimension_semantics = [#tpu.dimension_semantics<arbitrary>], iteration_bounds = array<i64: 10>, scalar_prefetch = 0 : i64, scratch_operands = 0 : i64, tpu.core_type = #tpu.core_type<tc>, window_params = [{transform_indices = @transform_0, window_bounds = array<i64: 2, 1024, 128>}, {transform_indices = @transform_1, window_bounds = array<i64: 2, 1024, 1>}, {transform_indices = @transform_2, window_bounds = array<i64: 1024, 128>}, {pipeline_mode = #tpu.pipeline_mode<synchronous>, transform_indices = @transform_3, window_bounds = array<i64: 1, 128>}, {transform_indices = @transform_4, window_bounds = array<i64: 1024, 128>}]} {
    %get3A = arith.constant 0 : index
    %get3A_0 = arith.constant 0 : index
    %get3A_1 = arith.constant 0 : index
    %get3A_2 = vector.load %arg1[%get3A, %get3A_0, %get3A_1] : memref<2x1024x128xf32, #tpu.memory_space<vmem>>, vector<1x1024x128xf32>
    %get3A_3 = vector.shape_cast %get3A_2 : vector<1x1024x128xf32> to vector<1024x128xf32>
    %get3A_4 = arith.constant 1 : index
    %get3A_5 = arith.constant 0 : index
    %get3A_6 = arith.constant 0 : index
    %get3A_7 = vector.load %arg1[%get3A_4, %get3A_5, %get3A_6] : memref<2x1024x128xf32, #tpu.memory_space<vmem>>, vector<1x1024x128xf32>
    %get3A_8 = vector.shape_cast %get3A_7 : vector<1x1024x128xf32> to vector<1024x128xf32>
    %add3A = arith.addf %get3A_3, %get3A_8 : vector<1024x128xf32>
    %get3A_9 = arith.constant 0 : index
    %get3A_10 = arith.constant 0 : index
    %get3A_11 = vector.load %arg3[%get3A_9, %get3A_10] : memref<1024x128xf32, #tpu.memory_space<vmem>>, vector<1024x128xf32>
    %add3A_12 = arith.addf %add3A, %get3A_11 : vector<1024x128xf32>
    %get3A_13 = arith.constant 0 : index
    %get3A_14 = arith.constant 0 : index
    %get3A_15 = arith.constant 0 : index
    %get3A_16 = vector.load %arg2[%get3A_13, %get3A_14, %get3A_15] : memref<2x1024x1xf32, #tpu.memory_space<vmem>>, vector<1x1024x1xf32>
    %get3A_17 = vector.shape_cast %get3A_16 : vector<1x1024x1xf32> to vector<1024x1xf32>
    %get3A_18 = arith.constant 1 : index
    %get3A_19 = arith.constant 0 : index
    %get3A_20 = arith.constant 0 : index
    %get3A_21 = vector.load %arg2[%get3A_18, %get3A_19, %get3A_20] : memref<2x1024x1xf32, #tpu.memory_space<vmem>>, vector<1x1024x1xf32>
    %get3A_22 = vector.shape_cast %get3A_21 : vector<1x1024x1xf32> to vector<1024x1xf32>
    %add3A_23 = arith.addf %get3A_17, %get3A_22 : vector<1024x1xf32>
    %add3A_24 = arith.constant 1.000000e+00 : f32
    %add3A_25 = vector.broadcast %add3A_24 : f32 to vector<1024x1xf32>
    %add3A_26 = arith.addf %add3A_23, %add3A_25 : vector<1024x1xf32>
    %div3A = vector.broadcast %add3A_26 : vector<1024x1xf32> to vector<1024x128xf32>
    %div3A_27 = arith.divf %add3A_12, %div3A : vector<1024x128xf32>
    %get3A_28 = arith.constant 0 : index
    %get3A_29 = arith.constant 0 : index
    %get3A_30 = vector.load %arg4[%get3A_28, %get3A_29] : memref<1x128xf32, #tpu.memory_space<vmem>>, vector<1x128xf32>
    %add3A_31 = vector.broadcast %get3A_30 : vector<1x128xf32> to vector<1024x128xf32>
    %add3A_32 = arith.addf %div3A_27, %add3A_31 : vector<1024x128xf32>
    %swap3A = arith.constant 0 : index
    %swap3A_33 = arith.constant 0 : index
    %swap3A_34 = vector.load %arg5[%swap3A, %swap3A_33] : memref<1024x128xf32, #tpu.memory_space<vmem>>, vector<1024x128xf32>
    tpu.vector_store %arg5[%swap3A, %swap3A_33], %add3A_32 {strides = array<i32>} : memref<1024x128xf32, #tpu.memory_space<vmem>>, vector<1024x128xf32>,
    return
  }
  func.func @transform_0(%arg0: i32) -> (i32, i32, i32) {
    %c0_i32 = arith.constant 0 : i32
    %c0_i32_0 = arith.constant 0 : i32
    %c0_i32_1 = arith.constant 0 : i32
    return %c0_i32, %arg0, %c0_i32_0 : i32, i32, i32
  }
  func.func @transform_1(%arg0: i32) -> (i32, i32, i32) {
    %c0_i32 = arith.constant 0 : i32
    %c0_i32_0 = arith.constant 0 : i32
    %c0_i32_1 = arith.constant 0 : i32
    return %c0_i32, %arg0, %c0_i32_0 : i32, i32, i32
  }
  func.func @transform_2(%arg0: i32) -> (i32, i32) {
    %c0_i32 = arith.constant 0 : i32
    %c0_i32_0 = arith.constant 0 : i32
    return %arg0, %c0_i32 : i32, i32
  }
  func.func @transform_3(%arg0: i32) -> (i32, i32) {
    %c0_i32 = arith.constant 0 : i32
    %c0_i32_0 = arith.constant 0 : i32
    %c0_i32_1 = arith.constant 0 : i32
    return %c0_i32, %c0_i32_0 : i32, i32
  }
  func.func @transform_4(%arg0: i32) -> (i32, i32) {
    %c0_i32 = arith.constant 0 : i32
    %c0_i32_0 = arith.constant 0 : i32
    return %arg0, %c0_i32 : i32, i32
  }
}

</mosaic_0001>

<sc_bundles>
// kernel: kernel.11.cloned.1.call-start
scs
__scs_entry_jumppad:
0x0: {  	(pc) =	sbr.rel $0x88, $3  }
0x1: {  	(tag) =	ssettag $0x0;
	lr =	simm.s32 $0x1  }
0x2: {  	[smem:$0x3F99] =	sst lr;
	_ =	strace $0xD0000000  }
0x3: {  	_ = 	snop  }
0x4: {  	_ = 	snop  }
0x5: {  	_ = 	snop  }
0x6: {  	_ = 	snop  }
0x7: {  	_ = 	snop  }
__scs_overlays_trampoline_lowered:
0x8: {  	[smem:$0x3FA8] =	sst s0  }
0x9: {  	[smem:$0x3FA9] =	sst s1  }
0xa: {  	[smem:$0x3FAA] =	sst s2  }
0xb: {  	[smem:$0x3FAB] =	sst s3  }
0xc: {  	[smem:$0x3FAC] =	sst s4  }
0xd: {  	[smem:$0x3FAD] =	sst s5  }
0xe: {  	[smem:$0x3FAE] =	sst s6  }
0xf: {  	[smem:$0x3FAF] =	sst s7  }
0x10: {  	[smem:$0x3FB0] =	sst s8  }
0x11: {  	[smem:$0x3FB1] =	sst s9;
	s0 =	simm.s32 @!p0 $0x0  }
0x12: {  	s1 =	sld [smem:$0x3F97];
	s0 =	simm.s32 @p0 $0x1  }
0x13: {  	[smem:$0x3FB2] =	sst s0;
	s0 =	simm.s32 @!p1 $0x0  }
0x14: {  	s2 =	sld [smem:$0x3F96];
	s0 =	simm.s32 @p1 $0x1  }
0x15: {  	[smem:$0x3FB3] =	sst s0;
	s0 =	simm.s32 @!p2 $0x0  }
0x16: {  	s3 =	sld [smem:$0x3FDB];
	s0 =	simm.s32 @p2 $0x1  }
0x17: {  	s4 =	simm.s32 $0x1BF5;
	[smem:$0x3FB5] =	sst s0  }
0x18: {  	s0 =	sld [smem:$0x3F98];
	_ =	swait.ge [sflag:s4], $0x0  }
0x19: {  	s7 =	sld [smem:$0x3F99]  }
0x1a: {  	s8 =	sadd.s32 $0xFFFFE003, lr  }
0x1b: {  	s9 =	sadd.s32 $0xFFFFFEF7, lr;
	s5 =	simm.s32 $0xFFFFFFFF;
	p2 =	slt.u32 s8, $0xFFFFF086  }
0x1c: {  	p1 =	slt.u32 s9, $0xF7A;
	s5 =	simm.s32 @!p2 $0x0  }
0x1d: {  	s5 =	simm.s32 @p1 $0x1;
	p0 =	seq.s32 s7, s2  }
0x1e: {  	s7 =	smul.u32 @!p0 $0xF7A, s2;
	p2 =	seq.s32 @!p0 s5, $0x0  }
0x1f: {  	s9 =	smul.u32 $0xF7A, s1;
	s8 =	simm.s32 @!p0 $0x1BF5;
	p2 =	por !p2, p0  }
0x20: {  	[sflag:s8] =	ssyncset.s32 @!p0 $0xFFFFF086;
	s6 =	sadd.s32 @!p0 s3, s7;
	s7 =	simm.s32 @!p0 $0x108  }
0x21: {  	s3 =	sadd.s32 s3, s9;
	s6 =	sadd.s32 @!p0 $0x88, s6;
	s7 =	simm.s32 @p2 $0x1082  }
0x22: {  	[simem:s7], [sflag:s8] =	dma.local @!p0 [hbm:s6], $0xF7A  }
0x23: {  	s9 =	sor.u32 $0xD0000000, s2;
	s6 =	simm.s32 $0x108;
	_ =	swait.ge @!p0 [sflag:s8], $0x0  }
0x24: {  	s3 =	sadd.s32 $0x88, s3;
	s6 =	simm.s32 @!p1 $0x1082;
	[sflag:s4] =	ssyncset.s32 $0xFFFFF086  }
0x25: {  	[simem:s6], [sflag:s4] =	dma.local [hbm:s3], $0xF7A  }
0x26: {  	[smem:$0x3F99] =	sst s1;
	(tag) =	ssettag s2;
	_ =	strace s9  }
0x27: {  	s1 =	sld [smem:$0x3FA9]  }
0x28: {  	s2 =	sld [smem:$0x3FAA]  }
0x29: {  	s4 =	sld [smem:$0x3FAC]  }
0x2a: {  	p0 =	seq.s32 s5, $0x0;
	s5 =	sld [smem:$0x3FAD]  }
0x2b: {  	s6 =	sld [smem:$0x3FAE]  }
0x2c: {  	s7 =	sld [smem:$0x3FAF]  }
0x2d: {  	s3 =	simm.s32 $0x108;
	s8 =	sld [smem:$0x3FB0]  }
0x2e: {  	s3 =	simm.s32 @!p0 $0x1082;
	s9 =	sld [smem:$0x3FB1]  }
0x2f: {  	lr =	sadd.s32 s0, s3;
	s0 =	sld [smem:$0x3FA8]  }
0x30: {  	s3 =	sld [smem:$0x3FAB]  }
0x31: {  	[smem:$0x3FB4] =	sst s10  }
0x32: {  	s10 =	sld [smem:$0x3FB2];
	_ =	sdelay $0x3  }
0x33: {  	p0 =	seq.s32 s10, $0x1;
	s10 =	sld [smem:$0x3FB4];
	_ =	sdelay $0x3  }
0x34: {  	[smem:$0x3FB4] =	sst s10  }
0x35: {  	s10 =	sld [smem:$0x3FB3];
	_ =	sdelay $0x3  }
0x36: {  	p1 =	seq.s32 s10, $0x1;
	s10 =	sld [smem:$0x3FB4];
	_ =	sdelay $0x3  }
0x37: {  	[smem:$0x3FB4] =	sst s10  }
0x38: {  	s10 =	sld [smem:$0x3FB5]  }
0x39: {  	_ = 	snop;
	(pc) =	sbr.ind lr, $3  }
0x3a: {  	_ = 	snop  }
0x3b: {  	_ = 	snop  }
0x3c: {  	p2 =	seq.s32 s10, $0x1;
	s10 =	sld [smem:$0x3FB4]  }
0x3d: {  	_ =	shalt  }
0x3e: {  	_ =	shalt  }
0x3f: {  	_ =	shalt  }
0x40: {  	_ =	shalt  }
0x41: {  	_ =	shalt  }
0x42: {  	_ =	shalt  }
0x43: {  	_ =	shalt  }
0x44: {  	_ =	shalt  }
0x45: {  	_ =	shalt  }
0x46: {  	_ =	shalt  }
0x47: {  	_ =	shalt  }
0x48: {  	_ =	shalt  }
0x49: {  	_ =	shalt  }
0x4a: {  	_ =	shalt  }
0x4b: {  	_ =	shalt  }
0x4c: {  	_ =	shalt  }
0x4d: {  	_ =	shalt  }
0x4e: {  	_ =	shalt  }
0x4f: {  	_ =	shalt  }
0x50: {  	_ =	shalt  }
0x51: {  	_ =	shalt  }
0x52: {  	_ =	shalt  }
0x53: {  	_ =	shalt  }
0x54: {  	_ =	shalt  }
0x55: {  	_ =	shalt  }
0x56: {  	_ =	shalt  }
0x57: {  	_ =	shalt  }
0x58: {  	_ =	shalt  }
0x59: {  	_ =	shalt  }
0x5a: {  	_ =	shalt  }
0x5b: {  	_ =	shalt  }
0x5c: {  	_ =	shalt  }
0x5d: {  	_ =	shalt  }
0x5e: {  	_ =	shalt  }
0x5f: {  	_ =	shalt  }
0x60: {  	_ =	shalt  }
0x61: {  	_ =	shalt  }
0x62: {  	_ =	shalt  }
0x63: {  	_ =	shalt  }
0x64: {  	_ =	shalt  }
0x65: {  	_ =	shalt  }
0x66: {  	_ =	shalt  }
0x67: {  	_ =	shalt  }
0x68: {  	_ =	shalt  }
0x69: {  	_ =	shalt  }
0x6a: {  	_ =	shalt  }
0x6b: {  	_ =	shalt  }
0x6c: {  	_ =	shalt  }
0x6d: {  	_ =	shalt  }
0x6e: {  	_ =	shalt  }
0x6f: {  	_ =	shalt  }
0x70: {  	_ =	shalt  }
0x71: {  	_ =	shalt  }
0x72: {  	_ =	shalt  }
0x73: {  	_ =	shalt  }
0x74: {  	_ =	shalt  }
0x75: {  	_ =	shalt  }
0x76: {  	_ =	shalt  }
0x77: {  	_ =	shalt  }
0x78: {  	_ =	shalt  }
0x79: {  	_ =	shalt  }
0x7a: {  	_ =	shalt  }
0x7b: {  	_ =	shalt  }
0x7c: {  	_ =	shalt  }
0x7d: {  	_ =	shalt  }
0x7e: {  	_ =	shalt  }
0x7f: {  	_ =	shalt  }
0x80: {  	_ =	shalt  }
0x81: {  	_ =	shalt  }
0x82: {  	_ =	shalt  }
0x83: {  	_ =	shalt  }
0x84: {  	_ =	shalt  }
0x85: {  	_ =	shalt  }
0x86: {  	_ =	shalt  }
0x87: {  	_ =	shalt  }
.Lfunc_end0:
.L_simem_size_0:
called_computation.1_lowered:
.L_overlay_start_0:
0x88: {  	s2 =	sld [smem:$0x3FD9]  }
0x89: {  	s3 =	sld [smem:$0x3FFE];
	_ =	sdelay $0x1  }
0x8a: {  	s1 =	srdreg.scid  }
0x8b: {  	s0 =	sand.u32 $0x1, s1  }
0x8c: {  	s17 =	sshll.u32 s0, $0xA;
	s2 =	sadd.s32 s3, s2  }
0x8d: {  	s2 =	sadd.s32 s2, s17  }
0x8e: {  	[smem:$0x3FC0] =	sst s2  }
0x8f: {  	_ = 	snop  }
0x90: {  	s18 =	sld [smem:$0x3FD0];
	(tm) =	ssettm $0x1  }
0x91: {  	s19 =	sld [smem:$0x3FFB];
	_ =	sdelay $0x3  }
0x92: {  	_ =	strace s19  }
0x93: {  	s2 =	sld [smem:$0x3FFC];
	_ =	sdelay $0x3  }
0x94: {  	_ =	strace s2  }
0x95: {  	s2 =	sld [smem:$0x3FFD];
	_ =	sdelay $0x3  }
0x96: {  	_ =	strace s2  }
0x97: {  	_ =	strace $0x8FFFFFFF  }
0x98: {  	s20 =	sld [smem:$0x3FDB];
	_ =	sdelay $0x1  }
0x99: {  	s4 =	simm.s32 $_scs_section_size  }
0x9a: {  	s5 =	simm.s32 $_size__tile_overlayer_lowered;
	s6 =	simm.s32 $_tile_overlayer_lowered  }
0x9b: {  	s7 =	simm.s32 $0x1BFF;
	s21 =	sshll.u32 s6, $0x1;
	s4 =	sadd.s32 s4, s20  }
0x9c: {  	s22 =	simm.s32 $0x0;
	s5 =	sshll.u32 s5, $0x1;
	s6 =	sadd.s32 s21, s4  }
0x9d: {  	[timem:s22], [sflag:s7] =	dma.local [hbm:s6], s5  }
0x9e: {  	_ =	swait.ge [sflag:s7], s5  }
0x9f: {  	s5 =	ssub.s32 $0x0, s5;
	[sflag:s7] =	ssyncset.done $0x0  }
0xa0: {  	[sflag:s7] =	ssyncadd.s32 s5;
	_ =	sdelay $0x1  }
0xa1: {  	s23 =	simm.s32 $0x1B8B  }
0xa2: {  	_ =	swait.ge [sflag:s23], $0x1  }
0xa3: {  	[sflag:s23] =	ssyncset.done $0x0  }
0xa4: {  	[sflag:s23] =	ssyncadd.s32 $0xFFFFFFFF  }
0xa5: {  	s5 =	sld [smem:$0x0]  }
0xa6: {  	s6 =	sand.u32 $0xFFFFFFFE, s1  }
0xa7: {  	p0 =	sne.s32 s1, s6  }
0xa8: {  	s6 =	sshll.u32 @p0 s6, $0xE  }
0xa9: {  	s6 =	sadd.s32 @p0 $0x11B8D, s6;
	s7 =	sshll.u32 @p0 s5, $0x11  }
0xaa: {  	s6 =	sor.u32 @p0 s7, s6  }
0xab: {  	[sflag:s6] =	ssyncadd.remote.s32 @p0 $0x1;
	_ =	sdelay $0x1  }
0xac: {  	s6 =	simm.s32 @p0 $0x1B8D  }
0xad: {  	_ =	swait.eq @p0 [sflag:s6], $0x1  }
0xae: {  	[sflag:s6] =	ssyncadd.s32 @p0 $0xFFFFFFFF  }
0xaf: {  	s7 =	sshll.u32 @!p0 s1, $0xE  }
0xb0: {  	s7 =	sor.u32 @!p0 $0x4000, s7;
	s6 =	simm.s32 @!p0 $0x1B8D  }
0xb1: {  	s5 =	sshll.u32 @!p0 s5, $0x11;
	s7 =	sadd.s32 @!p0 $0x11B8D, s7;
	_ =	swait.eq @!p0 [sflag:s6], $0x1  }
0xb2: {  	s5 =	sor.u32 @!p0 s5, s7;
	[sflag:s6] =	ssyncadd.s32 @!p0 $0xFFFFFFFF  }
0xb3: {  	s25 =	simm.s32 $0x1B8E;
	s24 =	sld [smem:$0x3FFE];
	[sflag:s5] =	ssyncadd.remote.s32 @!p0 $0x1  }
0xb4: {  	s26 =	simm.s32 $execute0_lowered;
	[smem:$0x3FD2] =	sst s25  }
0xb5: {  	s6 =	sshll.u32 s26, $0x1;
	_ =	strace $0x80000049;
	[dreg:$0x1] =	wrdreg $0xFFFFFFFF  }
0xb6: {  	s28 =	simm.s32 $_size_execute0_lowered;
	s4 =	sadd.s32 s4, s6;
	[dreg:$0x0] =	wrdreg $0x0  }
0xb7: {  	s6 =	sshll.u32 s28, $0x1;
	[dreg:$0x2] =	wrdreg s4  }
0xb8: {  	[dreg:$0x3] =	wrdreg s6  }
0xb9: {  	[dreg:$0x4] =	wrdreg $0xC0  }
0xba: {  	_ =	task [dreg:s22], $0x5FFFF  }
0xbb: {  	[dreg:$0x1] =	wrdreg $0xFFFFFFFF  }
0xbc: {  	[dreg:$0x0] =	wrdreg $0x60  }
0xbd: {  	[dreg:$0x2] =	wrdreg s24  }
0xbe: {  	[dreg:$0x3] =	wrdreg s18  }
0xbf: {  	[dreg:$0x4] =	wrdreg $0x70000  }
0xc0: {  	[dreg:$0x5] =	wrdreg $0xA  }
0xc1: {  	_ =	task.clear_ibuf [dreg:s22], $0x6FFFF;
	_ =	strace $0x90000049  }
0xc2: {  	s29 =	simm.s32 $0xA;
	_ =	strace $0x8000004B  }
0xc3: {  	_ =	swait.ge [sflag:s29], $0x1  }
0xc4: {  	[sflag:s29] =	ssyncadd.s32 $0xFFFFFFFF  }
0xc5: {  	_ =	strace $0x9000004B  }
0xc6: {  	_ =	sfence  }
0xc7: {  	s30 =	sld [smem:$0x0];
	_ =	sdelay $0x2  }
0xc8: {  	s31 =	sshll.u32 s1, $0xD;
	s1 =	sshrl.u32 s1, $0x2  }
0xc9: {  	s4 =	sand.u32 $0x4000, s31;
	s1 =	sadd.s32 s1, s30  }
0xca: {  	s0 =	sor.u32 s4, s0;
	s1 =	sshll.u32 s1, $0x11  }
0xcb: {  	s0 =	sor.u32 s1, s0  }
0xcc: {  	s0 =	sadd.s32 $0x8F2B, s0  }
0xcd: {  	[sflag:s0] =	ssyncadd.remote.s32 $0x1  }
0xce: {  	_ =	sfence.sel $0xFFFF  }
0xcf: {  	[dreg:$0x0] =	wrdreg $0xFFFFFFFF;
	(pc) =	sbr.abs _section_cstart, $3  }
0xd0: {  	[dreg:$0x1] =	wrdreg $0xFFFFFFFF  }
0xd1: {  	_ =	task.clear_ibuf [dreg:s22], $0x2FFFF;
	_ =	strace $0x9FFFFFFF  }
0xd2: {  	(tm) =	ssettm $0x7FFFFFFF  }
0xd3: {  	_ =	shalt  }
tec
execute0_lowered:
.L_overlay_start_1:
0x0: {  	(tag) =	ssettag $0x1  }
0x1: {  	s7 =	rddreg [dreg:$0x0]  }
0x2: {  	s2 =	rddreg [dreg:$0x1];
	s0 =	srdreg.scid  }
0x3: {  	s3 =	rddreg [dreg:$0x2];
	s1 =	stileid.u32  }
0x4: {  	s4 =	simm.s32 $0x0;
	s13 =	simm.s32 $0x3;
	s14 =	simm.s32 $0x1000  }
0x5: {  	s15 =	simm.s32 $0x50;
	s16 =	simm.s32 $0x4800;
	s17 =	simm.s32 $0x1  }
0x6: {  	s18 =	simm.s32 $0x2;
	s8 =	sand.u32 $0x1, s0;
	s0 =	rddreg [dreg:$0x3]  }
0x7: {  	s19 =	simm.s32 $0x1C00;
	s9 =	smul.u32 $0x2800, s1;
	[smem:$0x7FF] =	sst s4  }
0x8: {  	s5 =	sadd.s32 $0x66400, s7;
	s29 =	smul.u32 $0xA000, s1;
	s30 =	sshll.u32 s1, $0x1  }
0x9: {  	s12 =	ssub.s32 $0x8C, s1;
	s6 =	smul.u32 $0x140000, s8;
	s10 =	ssub.s32 $0x2, s8  }
0xa: {  	_ =	strace $0x8000004A;
	s8 =	sor.u32 s8, s30;
	s28 =	sshrl.u32 s10, $0x1  }
0xb: {  	s31 =	sshrl.u32 s29, $0x2;
	s8 =	smul.u32 $0x5000, s8;
	s9 =	sor.u32 s9, s6  }
0xc: {  	s6 =	sadd.s32 $0x52400, s7;
	s10 =	ssub.s32 s10, s28;
	s9 =	sshrl.u32 s9, $0x3  }
0xd: {  	s11 =	sadd.s32 s9, s7;
	s7 =	sshrl.u32 s12, $0x4;
	s9 =	smax.u32 s10, $0x1  }
0xe: {  	v0 =	vimm.f32 $0.0e+00;
	s10 =	sadd.s32 s31, s3;
	s12 =	simm.s32 $0x2000;
	s11 =	sadd.s32 $0x8E400, s11  }
.LBB2_1:
0xf: {  	s20 =	simm.s32 $0x70;
	s21 =	simm.s32 $0x3C0  }
.LBB2_2:
0x10: {  	p0 =	sne.s32 s21, $0x9FC0;
	[tilespmem:s20+$0x2000] =	vst v0  }
0x11: {  	[tilespmem:s20+$0x1F90] =	vst v0  }
0x12: {  	[tilespmem:s20+$0x1FA0] =	vst v0  }
.Ltmp0:
0x13: {  	[tilespmem:s20+$0x1FB0] =	vst v0;
	(pc) =	sbr.rel @p0 .LBB2_2-.Ltmp0, $4  }
0x14: {  	[tilespmem:s20+$0x1FC0] =	vst v0  }
0x15: {  	[tilespmem:s20+$0x1FD0] =	vst v0  }
0x16: {  	[tilespmem:s20+$0x1FE0] =	vst v0  }
0x17: {  	[tilespmem:s20+$0x1FF0] =	vst v0;
	s20 =	sshra.s32 s21, $0x2;
	s21 =	sadd.s32 $0x200, s21  }
0x18: {  	[tilespmem:s20+$0x2000] =	vst v0  }
0x19: {  	[tilespmem:s20+$0x1F90] =	vst v0  }
0x1a: {  	[tilespmem:s20+$0x1FA0] =	vst v0  }
0x1b: {  	[tilespmem:s20+$0x1FB0] =	vst v0  }
0x1c: {  	[tilespmem:s20+$0x1FC0] =	vst v0  }
0x1d: {  	[tilespmem:s20+$0x1FD0] =	vst v0;
	p0 =	sne.s32 s7, $0x1  }
.Ltmp1:
0x1e: {  	[tilespmem:s20+$0x1FE0] =	vst v0;
	(pc) =	sbr.rel @!p0 .LBB2_5-.Ltmp1, $4  }
0x1f: {  	[tilespmem:s20+$0x1FF0] =	vst v0  }
0x20: {  	[spmem:s10] =	stream.linear.scatter [tilespmem:s12], [sflag:$0x3], $0x2800, $0x38;
	[tilespmem:$0x1A880] =	vst v63  }
0x21: {  	_ =	swait.ge [sflag:s13], $0x2800  }
0x22: {  	s20 =	sadd.s32 $0xFFFFFFFF, s7;
	s21 =	smov.u32 s10;
	[sflag:s13] =	ssyncset.done $0x0  }
.LBB2_4:
0x23: {  	p1 =	sne.s32 s20, $0x1;
	[sflag:s13] =	ssyncadd.s32 $0xFFFFD800;
	s21 =	sadd.s32 $0x28000, s21  }
.Ltmp2:
0x24: {  	s20 =	sadd.s32 $0xFFFFFFFF, s20;
	(pc) =	sbr.rel @p1 .LBB2_4-.Ltmp2, $4  }
0x25: {  	_ = 	snop  }
0x26: {  	[spmem:s21] =	stream.linear.scatter [tilespmem:s12], [sflag:$0x3], $0x2800, $0x38;
	[tilespmem:$0x1A880] =	vst v63  }
0x27: {  	_ =	swait.ge [sflag:s13], $0x2800  }
0x28: {  	[sflag:s13] =	ssyncset.done $0x0  }
.LBB2_5:
0x29: {  	[sflag:s13] =	ssyncadd.s32 $0xFFFFD800  }
0x2a: {  	s20 =	simm.s32 $0x0;
	s21 =	simm.s32 $0x0;
	[bflag:$0x0] =	sbarrier.arrive $0xFFFF  }
.LBB2_6:
0x2b: {  	s22 =	sshll.u32 s21, $0xC  }
0x2c: {  	s22 =	sadd.s32 s8, s22  }
0x2d: {  	s22 =	sshrl.u32 s22, $0x3  }
0x2e: {  	s23 =	sadd.s32 s2, s22  }
0x2f: {  	[tilespmem:s20], [sflag:$0x3] =	stream.linear.gather [hbm4b:s23+s20], $0xC80, $0x38;
	[tilespmem:$0x1A880] =	vst v63  }
0x30: {  	_ =	swait.ge [sflag:s13], $0xC80  }
0x31: {  	[sflag:s13] =	ssyncset.done $0x0  }
0x32: {  	s22 =	sadd.s32 s6, s22;
	[sflag:s13] =	ssyncadd.s32 $0xFFFFF380  }
0x33: {  	[tilespmem:s14], [sflag:$0x3] =	stream.linear.gather [hbm4b:s22+s20], $0xC80, $0x38;
	[tilespmem:$0x1A880] =	vst v63  }
0x34: {  	_ =	swait.ge [sflag:s13], $0xC80  }
0x35: {  	[sflag:s13] =	ssyncset.done $0x0  }
0x36: {  	[sflag:s13] =	ssyncadd.s32 $0xFFFFF380  }
0x37: {  	[tilespmem:s12], [sflag:$0x1] =	stream.indirect.gather [hbm4b:s5+s15], $0x80, s20, s15, $0xb8;
	[tilespmem:$0x1A880] =	vst v63  }
0x38: {  	s28 =	simm.s32 $0x80  }
0x39: {  	[tilespmem:s16], [sflag:$0x2] =	stream.indirect.gather [hbm4b:s5+s15], $0x80, s28, s15, $0xb8;
	[tilespmem:$0x1A880] =	vst v63  }
0x3a: {  	_ =	swait.ge [sflag:s17], $0x2800  }
0x3b: {  	[sflag:s17] =	ssyncset.done $0x0  }
0x3c: {  	s29 =	simm.s32 $0x1000;
	[sflag:s17] =	ssyncadd.s32 $0xFFFFD800  }
0x3d: {  	[spmem:s3] =	stream.indirect.scatter.add.f32 [tilespmem:s12], [sflag:$0x3], $0x80, s29, s15, $0xb8;
	[tilespmem:$0x1A880] =	vst v63  }
0x3e: {  	_ =	swait.ge [sflag:s13], $0x2800  }
0x3f: {  	[sflag:s13] =	ssyncset.done $0x0  }
0x40: {  	s30 =	simm.s32 $0x100;
	[sflag:s13] =	ssyncadd.s32 $0xFFFFD800  }
0x41: {  	[tilespmem:s12], [sflag:$0x1] =	stream.indirect.gather [hbm4b:s5+s15], $0x80, s30, s15, $0xb8;
	[tilespmem:$0x1A880] =	vst v63  }
0x42: {  	_ =	swait.ge [sflag:s18], $0x2800  }
0x43: {  	[sflag:s18] =	ssyncset.done $0x0  }
0x44: {  	s31 =	simm.s32 $0x1080;
	[sflag:s18] =	ssyncadd.s32 $0xFFFFD800  }
0x45: {  	[spmem:s3] =	stream.indirect.scatter.add.f32 [tilespmem:s16], [sflag:$0x3], $0x80, s31, s15, $0xb8;
	[tilespmem:$0x1A880] =	vst v63  }
0x46: {  	_ =	swait.ge [sflag:s13], $0x2800  }
0x47: {  	s23 =	simm.s32 $0x800;
	s22 =	simm.s32 $0x100;
	[sflag:s13] =	ssyncset.done $0x0  }
.LBB2_7:
0x48: {  	s24 =	sadd.s32 $0x80, s22  }
0x49: {  	[sflag:s13] =	ssyncadd.s32 $0xFFFFD800;
	s25 =	smov.u32 s23;
	s26 =	sadd.s32 $0x400, s23  }
0x4a: {  	[tilespmem:s16], [sflag:$0x2] =	stream.indirect.gather [hbm4b:s5+s15], $0x80, s24, s15, $0xb8;
	[tilespmem:$0x1A880] =	vst v63  }
0x4b: {  	p1 =	sne.s32 s23, $0x2C00;
	_ =	swait.ge [sflag:s17], $0x2800  }
0x4c: {  	[sflag:s17] =	ssyncset.done $0x0  }
0x4d: {  	s23 =	sadd.s32 $0x1000, s22;
	[sflag:s17] =	ssyncadd.s32 $0xFFFFD800  }
0x4e: {  	[spmem:s3] =	stream.indirect.scatter.add.f32 [tilespmem:s12], [sflag:$0x3], $0x80, s23, s15, $0xb8;
	[tilespmem:$0x1A880] =	vst v63  }
0x4f: {  	_ =	swait.ge [sflag:s13], $0x2800  }
0x50: {  	[sflag:s13] =	ssyncset.done $0x0  }
0x51: {  	s23 =	sadd.s32 $0x100, s22;
	[sflag:s13] =	ssyncadd.s32 $0xFFFFD800  }
0x52: {  	[tilespmem:s12], [sflag:$0x1] =	stream.indirect.gather [hbm4b:s5+s15], $0x80, s23, s15, $0xb8;
	[tilespmem:$0x1A880] =	vst v63  }
0x53: {  	_ =	swait.ge [sflag:s18], $0x2800  }
.Ltmp3:
0x54: {  	[sflag:s18] =	ssyncset.done $0x0;
	(pc) =	sbr.rel @p1 .LBB2_7-.Ltmp3, $4  }
0x55: {  	s22 =	sadd.s32 $0x1080, s22;
	[sflag:s18] =	ssyncadd.s32 $0xFFFFD800  }
0x56: {  	[spmem:s3] =	stream.indirect.scatter.add.f32 [tilespmem:s16], [sflag:$0x3], $0x80, s22, s15, $0xb8;
	[tilespmem:$0x1A880] =	vst v63  }
0x57: {  	_ =	swait.ge [sflag:s13], $0x2800  }
0x58: {  	s23 =	smov.u32 s26;
	s22 =	sshra.s32 s25, $0x2;
	[sflag:s13] =	ssyncset.done $0x0  }
0x59: {  	s23 =	sadd.s32 $0x80, s22;
	[sflag:s13] =	ssyncadd.s32 $0xFFFFD800  }
0x5a: {  	[tilespmem:s16], [sflag:$0x2] =	stream.indirect.gather [hbm4b:s5+s15], $0x80, s23, s15, $0xb8;
	[tilespmem:$0x1A880] =	vst v63  }
0x5b: {  	_ =	swait.ge [sflag:s17], $0x2800  }
0x5c: {  	[sflag:s17] =	ssyncset.done $0x0  }
0x5d: {  	s29 =	sadd.s32 $0x1000, s22;
	[sflag:s17] =	ssyncadd.s32 $0xFFFFD800  }
0x5e: {  	[spmem:s3] =	stream.indirect.scatter.add.f32 [tilespmem:s12], [sflag:$0x3], $0x80, s29, s15, $0xb8;
	[tilespmem:$0x1A880] =	vst v63  }
0x5f: {  	_ =	swait.ge [sflag:s13], $0x2800  }
0x60: {  	[sflag:s13] =	ssyncset.done $0x0  }
0x61: {  	s30 =	sadd.s32 $0x100, s22;
	[sflag:s13] =	ssyncadd.s32 $0xFFFFD800  }
0x62: {  	[tilespmem:s12], [sflag:$0x1] =	stream.indirect.gather [hbm4b:s5+s15], $0x80, s30, s15, $0xb8;
	[tilespmem:$0x1A880] =	vst v63  }
0x63: {  	_ =	swait.ge [sflag:s18], $0x2800  }
0x64: {  	[sflag:s18] =	ssyncset.done $0x0  }
0x65: {  	s31 =	sadd.s32 $0x1080, s22;
	[sflag:s18] =	ssyncadd.s32 $0xFFFFD800  }
0x66: {  	[spmem:s3] =	stream.indirect.scatter.add.f32 [tilespmem:s16], [sflag:$0x3], $0x80, s31, s15, $0xb8;
	[tilespmem:$0x1A880] =	vst v63  }
0x67: {  	_ =	swait.ge [sflag:s13], $0x2800  }
0x68: {  	[sflag:s13] =	ssyncset.done $0x0  }
0x69: {  	[sflag:s13] =	ssyncadd.s32 $0xFFFFD800  }
0x6a: {  	s21 =	sadd.s32 $0x1, s21;
	_ =	swait.ge [sflag:s17], $0x2800  }
0x6b: {  	p1 =	sne.s32 s21, $0x5;
	[sflag:s17] =	ssyncset.done $0x0  }
.Ltmp4:
0x6c: {  	[sflag:s17] =	ssyncadd.s32 $0xFFFFD800;
	(pc) =	sbr.rel @p1 .LBB2_6-.Ltmp4, $4  }
0x6d: {  	[spmem:s3] =	stream.indirect.scatter.add.f32 [tilespmem:s12], [sflag:$0x3], $0x80, s19, s15, $0xb8;
	[tilespmem:$0x1A880] =	vst v63  }
0x6e: {  	_ =	swait.ge [sflag:s13], $0x2800  }
0x6f: {  	[sflag:s13] =	ssyncset.done $0x0  }
0x70: {  	[sflag:s13] =	ssyncadd.s32 $0xFFFFD800  }
.Ltmp5:
0x71: {  	(pc) =	sbr.rel @!p0 .LBB2_11-.Ltmp5, $4  }
0x72: {  	s20 =	sshll.u32 s1, $0x6;
	[bflag:$0x0] =	sbarrier.arrive $0xFFFF  }
0x73: {  	s21 =	sshrl.u32 s10, $0x3;
	s22 =	sadd.s32 $0x5000, s11;
	s20 =	sor.u32 $0x1C03, s20  }
0x74: {  	[hbm:s11], [sflag:s20] =	dma.local [spmem:s21], $0x500  }
0x75: {  	s23 =	smov.u32 s10;
	s21 =	sadd.s32 $0xFFFFFFFF, s7;
	_ =	swait.ge [sflag:s13], $0x500  }
.LBB2_10:
0x76: {  	[sflag:s13] =	ssyncset.done $0x0;
	s23 =	sadd.s32 $0x28000, s23;
	p0 =	sne.s32 s21, $0x1  }
.Ltmp6:
0x77: {  	s24 =	sshrl.u32 s23, $0x3;
	[sflag:s13] =	ssyncadd.s32 $0xFFFFFB00;
	(pc) =	sbr.rel @p0 .LBB2_10-.Ltmp6, $3  }
0x78: {  	[hbm:s22], [sflag:s20] =	dma.local [spmem:s24], $0x500  }
0x79: {  	s21 =	sadd.s32 $0xFFFFFFFF, s21;
	_ =	sdelay $0x1  }
0x7a: {  	s22 =	sadd.s32 $0x5000, s22;
	_ =	swait.ge [sflag:s13], $0x500  }
.LBB2_11:
0x7b: {  	s4 =	sadd.s32 $0x1, s4  }
0x7c: {  	p0 =	sne.s32 s4, s9  }
.Ltmp7:
0x7d: {  	_ = 	snop;
	(pc) =	sbr.rel @p0 .LBB2_1-.Ltmp7, $3  }
0x7e: {  	_ =	sdelay $0x1  }
0x7f: {  	[sflag:s13] =	ssyncset.done $0x0  }
0x80: {  	[sflag:s13] =	ssyncadd.s32 $0xFFFFFB00  }
0x81: {  	_ =	sfence.sel $0x180000  }
0x82: {  	[bflag:$0x0] =	sbarrier.arrive $0xFFFF  }
0x83: {  	p0 =	sne.s32 s1, $0x0;
	_ =	strace $0x9000004A  }
0x84: {  	s0 =	sadd.s32 @!p0 $0x100000, s0;
	[bflag:$0x2] =	sbarrier.arrive $0xFFFF  }
0x85: {  	[sflag:s0] =	ssyncadd.tile.s32 @!p0 $0x1;
	_ =	shalt  }
.Lfunc_end2:
_tile_overlayer_lowered:
.L_overlay_start_2:
0x86: {  	(tag) =	ssettag $0x2  }
0x87: {  	s0 =	rddreg [dreg:$0x0];
	s2 =	stileid.u32  }
0x88: {  	s1 =	rddreg [dreg:$0x1];
	p0 =	sne.s32 s2, $0x0  }
0x89: {  	s3 =	rddreg [dreg:$0x2];
	[bflag:$0x3] =	sbarrier.arrive $0xFFFF;
	s2 =	simm.s32 @!p0 $0x1C03  }
0x8a: {  	[timem:s3], [sflag:s2] =	dma.local @!p0 [hbm:s0], s1  }
0x8b: {  	s0 =	simm.s32 @!p0 $0x3  }
0x8c: {  	_ =	swait.ge @!p0 [sflag:s0], s1  }
0x8d: {  	s1 =	ssub.s32 @!p0 $0x0, s1;
	[sflag:s0] =	ssyncset.done @!p0 $0x0  }
0x8e: {  	[sflag:s0] =	ssyncadd.s32 @!p0 s1  }
0x8f: {  	[bflag:$0x3] =	sbarrier.arrive $0xFFFF  }
0x90: {  	_ =	shalt  }

// kernel: kernel.14.cloned.1.call-start
scs
__scs_entry_jumppad:
0x0: {  	(pc) =	sbr.rel $0x88, $3  }
0x1: {  	(tag) =	ssettag $0x0;
	lr =	simm.s32 $0x1  }
0x2: {  	[smem:$0x3F99] =	sst lr;
	_ =	strace $0xD0000000  }
0x3: {  	_ = 	snop  }
0x4: {  	_ = 	snop  }
0x5: {  	_ = 	snop  }
0x6: {  	_ = 	snop  }
0x7: {  	_ = 	snop  }
__scs_overlays_trampoline_lowered:
0x8: {  	[smem:$0x3FA8] =	sst s0  }
0x9: {  	[smem:$0x3FA9] =	sst s1  }
0xa: {  	[smem:$0x3FAA] =	sst s2  }
0xb: {  	[smem:$0x3FAB] =	sst s3  }
0xc: {  	[smem:$0x3FAC] =	sst s4  }
0xd: {  	[smem:$0x3FAD] =	sst s5  }
0xe: {  	[smem:$0x3FAE] =	sst s6  }
0xf: {  	[smem:$0x3FAF] =	sst s7  }
0x10: {  	[smem:$0x3FB0] =	sst s8  }
0x11: {  	[smem:$0x3FB1] =	sst s9;
	s0 =	simm.s32 @!p0 $0x0  }
0x12: {  	s1 =	sld [smem:$0x3F97];
	s0 =	simm.s32 @p0 $0x1  }
0x13: {  	[smem:$0x3FB2] =	sst s0;
	s0 =	simm.s32 @!p1 $0x0  }
0x14: {  	s2 =	sld [smem:$0x3F96];
	s0 =	simm.s32 @p1 $0x1  }
0x15: {  	[smem:$0x3FB3] =	sst s0;
	s0 =	simm.s32 @!p2 $0x0  }
0x16: {  	s3 =	sld [smem:$0x3FDB];
	s0 =	simm.s32 @p2 $0x1  }
0x17: {  	s4 =	simm.s32 $0x1BF5;
	[smem:$0x3FB5] =	sst s0  }
0x18: {  	s0 =	sld [smem:$0x3F98];
	_ =	swait.ge [sflag:s4], $0x0  }
0x19: {  	s7 =	sld [smem:$0x3F99]  }
0x1a: {  	s8 =	sadd.s32 $0xFFFFE003, lr  }
0x1b: {  	s9 =	sadd.s32 $0xFFFFFEF7, lr;
	s5 =	simm.s32 $0xFFFFFFFF;
	p2 =	slt.u32 s8, $0xFFFFF086  }
0x1c: {  	p1 =	slt.u32 s9, $0xF7A;
	s5 =	simm.s32 @!p2 $0x0  }
0x1d: {  	s5 =	simm.s32 @p1 $0x1;
	p0 =	seq.s32 s7, s2  }
0x1e: {  	s7 =	smul.u32 @!p0 $0xF7A, s2;
	p2 =	seq.s32 @!p0 s5, $0x0  }
0x1f: {  	s9 =	smul.u32 $0xF7A, s1;
	s8 =	simm.s32 @!p0 $0x1BF5;
	p2 =	por !p2, p0  }
0x20: {  	[sflag:s8] =	ssyncset.s32 @!p0 $0xFFFFF086;
	s6 =	sadd.s32 @!p0 s3, s7;
	s7 =	simm.s32 @!p0 $0x108  }
0x21: {  	s3 =	sadd.s32 s3, s9;
	s6 =	sadd.s32 @!p0 $0x88, s6;
	s7 =	simm.s32 @p2 $0x1082  }
0x22: {  	[simem:s7], [sflag:s8] =	dma.local @!p0 [hbm:s6], $0xF7A  }
0x23: {  	s9 =	sor.u32 $0xD0000000, s2;
	s6 =	simm.s32 $0x108;
	_ =	swait.ge @!p0 [sflag:s8], $0x0  }
0x24: {  	s3 =	sadd.s32 $0x88, s3;
	s6 =	simm.s32 @!p1 $0x1082;
	[sflag:s4] =	ssyncset.s32 $0xFFFFF086  }
0x25: {  	[simem:s6], [sflag:s4] =	dma.local [hbm:s3], $0xF7A  }
0x26: {  	[smem:$0x3F99] =	sst s1;
	(tag) =	ssettag s2;
	_ =	strace s9  }
0x27: {  	s1 =	sld [smem:$0x3FA9]  }
0x28: {  	s2 =	sld [smem:$0x3FAA]  }
0x29: {  	s4 =	sld [smem:$0x3FAC]  }
0x2a: {  	p0 =	seq.s32 s5, $0x0;
	s5 =	sld [smem:$0x3FAD]  }
0x2b: {  	s6 =	sld [smem:$0x3FAE]  }
0x2c: {  	s7 =	sld [smem:$0x3FAF]  }
0x2d: {  	s3 =	simm.s32 $0x108;
	s8 =	sld [smem:$0x3FB0]  }
0x2e: {  	s3 =	simm.s32 @!p0 $0x1082;
	s9 =	sld [smem:$0x3FB1]  }
0x2f: {  	lr =	sadd.s32 s0, s3;
	s0 =	sld [smem:$0x3FA8]  }
0x30: {  	s3 =	sld [smem:$0x3FAB]  }
0x31: {  	[smem:$0x3FB4] =	sst s10  }
0x32: {  	s10 =	sld [smem:$0x3FB2];
	_ =	sdelay $0x3  }
0x33: {  	p0 =	seq.s32 s10, $0x1;
	s10 =	sld [smem:$0x3FB4];
	_ =	sdelay $0x3  }
0x34: {  	[smem:$0x3FB4] =	sst s10  }
0x35: {  	s10 =	sld [smem:$0x3FB3];
	_ =	sdelay $0x3  }
0x36: {  	p1 =	seq.s32 s10, $0x1;
	s10 =	sld [smem:$0x3FB4];
	_ =	sdelay $0x3  }
0x37: {  	[smem:$0x3FB4] =	sst s10  }
0x38: {  	s10 =	sld [smem:$0x3FB5]  }
0x39: {  	_ = 	snop;
	(pc) =	sbr.ind lr, $3  }
0x3a: {  	_ = 	snop  }
0x3b: {  	_ = 	snop  }
0x3c: {  	p2 =	seq.s32 s10, $0x1;
	s10 =	sld [smem:$0x3FB4]  }
0x3d: {  	_ =	shalt  }
0x3e: {  	_ =	shalt  }
0x3f: {  	_ =	shalt  }
0x40: {  	_ =	shalt  }
0x41: {  	_ =	shalt  }
0x42: {  	_ =	shalt  }
0x43: {  	_ =	shalt  }
0x44: {  	_ =	shalt  }
0x45: {  	_ =	shalt  }
0x46: {  	_ =	shalt  }
0x47: {  	_ =	shalt  }
0x48: {  	_ =	shalt  }
0x49: {  	_ =	shalt  }
0x4a: {  	_ =	shalt  }
0x4b: {  	_ =	shalt  }
0x4c: {  	_ =	shalt  }
0x4d: {  	_ =	shalt  }
0x4e: {  	_ =	shalt  }
0x4f: {  	_ =	shalt  }
0x50: {  	_ =	shalt  }
0x51: {  	_ =	shalt  }
0x52: {  	_ =	shalt  }
0x53: {  	_ =	shalt  }
0x54: {  	_ =	shalt  }
0x55: {  	_ =	shalt  }
0x56: {  	_ =	shalt  }
0x57: {  	_ =	shalt  }
0x58: {  	_ =	shalt  }
0x59: {  	_ =	shalt  }
0x5a: {  	_ =	shalt  }
0x5b: {  	_ =	shalt  }
0x5c: {  	_ =	shalt  }
0x5d: {  	_ =	shalt  }
0x5e: {  	_ =	shalt  }
0x5f: {  	_ =	shalt  }
0x60: {  	_ =	shalt  }
0x61: {  	_ =	shalt  }
0x62: {  	_ =	shalt  }
0x63: {  	_ =	shalt  }
0x64: {  	_ =	shalt  }
0x65: {  	_ =	shalt  }
0x66: {  	_ =	shalt  }
0x67: {  	_ =	shalt  }
0x68: {  	_ =	shalt  }
0x69: {  	_ =	shalt  }
0x6a: {  	_ =	shalt  }
0x6b: {  	_ =	shalt  }
0x6c: {  	_ =	shalt  }
0x6d: {  	_ =	shalt  }
0x6e: {  	_ =	shalt  }
0x6f: {  	_ =	shalt  }
0x70: {  	_ =	shalt  }
0x71: {  	_ =	shalt  }
0x72: {  	_ =	shalt  }
0x73: {  	_ =	shalt  }
0x74: {  	_ =	shalt  }
0x75: {  	_ =	shalt  }
0x76: {  	_ =	shalt  }
0x77: {  	_ =	shalt  }
0x78: {  	_ =	shalt  }
0x79: {  	_ =	shalt  }
0x7a: {  	_ =	shalt  }
0x7b: {  	_ =	shalt  }
0x7c: {  	_ =	shalt  }
0x7d: {  	_ =	shalt  }
0x7e: {  	_ =	shalt  }
0x7f: {  	_ =	shalt  }
0x80: {  	_ =	shalt  }
0x81: {  	_ =	shalt  }
0x82: {  	_ =	shalt  }
0x83: {  	_ =	shalt  }
0x84: {  	_ =	shalt  }
0x85: {  	_ =	shalt  }
0x86: {  	_ =	shalt  }
0x87: {  	_ =	shalt  }
.Lfunc_end0:
.L_simem_size_0:
called_computation.2_lowered:
.L_overlay_start_0:
0x88: {  	s2 =	sld [smem:$0x3FD9]  }
0x89: {  	s3 =	sld [smem:$0x3FFE];
	_ =	sdelay $0x1  }
0x8a: {  	s1 =	srdreg.scid  }
0x8b: {  	s0 =	sand.u32 $0x1, s1  }
0x8c: {  	s17 =	sshll.u32 s0, $0xA;
	s2 =	sadd.s32 s3, s2  }
0x8d: {  	s2 =	sadd.s32 s2, s17  }
0x8e: {  	[smem:$0x3FC0] =	sst s2  }
0x8f: {  	_ = 	snop  }
0x90: {  	s2 =	sld [smem:$0x3FD0];
	(tm) =	ssettm $0x1  }
0x91: {  	s18 =	sld [smem:$0x3FFB];
	_ =	sdelay $0x3  }
0x92: {  	_ =	strace s18  }
0x93: {  	s3 =	sld [smem:$0x3FFC];
	_ =	sdelay $0x3  }
0x94: {  	_ =	strace s3  }
0x95: {  	s3 =	sld [smem:$0x3FFD];
	_ =	sdelay $0x3  }
0x96: {  	_ =	strace s3  }
0x97: {  	_ =	strace $0x8FFFFFFF  }
0x98: {  	s19 =	sld [smem:$0x3FDB];
	_ =	sdelay $0x1  }
0x99: {  	s4 =	simm.s32 $_scs_section_size  }
0x9a: {  	s5 =	simm.s32 $_size__tile_overlayer_lowered;
	s6 =	simm.s32 $_tile_overlayer_lowered  }
0x9b: {  	s22 =	simm.s32 $0x1BFF;
	s21 =	sshll.u32 s6, $0x1;
	s3 =	sadd.s32 s4, s19  }
0x9c: {  	s7 =	simm.s32 $0x0;
	s20 =	sshll.u32 s5, $0x1;
	s5 =	sadd.s32 s21, s3  }
0x9d: {  	[timem:s7], [sflag:s22] =	dma.local [hbm:s5], s20  }
0x9e: {  	_ =	swait.ge [sflag:s22], s20  }
0x9f: {  	s4 =	ssub.s32 $0x0, s20;
	[sflag:s22] =	ssyncset.done $0x0  }
0xa0: {  	[sflag:s22] =	ssyncadd.s32 s4;
	_ =	sdelay $0x1  }
0xa1: {  	s23 =	simm.s32 $0x1B8B  }
0xa2: {  	_ =	swait.ge [sflag:s23], $0x1  }
0xa3: {  	[sflag:s23] =	ssyncset.done $0x0  }
0xa4: {  	s25 =	simm.s32 $0x1B8E;
	s24 =	sld [smem:$0x3FFE];
	[sflag:s23] =	ssyncadd.s32 $0xFFFFFFFF  }
0xa5: {  	s26 =	simm.s32 $execute0_lowered;
	[smem:$0x3FD2] =	sst s25  }
0xa6: {  	s5 =	sshll.u32 s26, $0x1;
	_ =	strace $0x8000004C;
	[dreg:$0x1] =	wrdreg $0xFFFFFFFF  }
0xa7: {  	s28 =	simm.s32 $_size_execute0_lowered;
	s3 =	sadd.s32 s3, s5;
	[dreg:$0x0] =	wrdreg $0x0  }
0xa8: {  	s5 =	sshll.u32 s28, $0x1;
	[dreg:$0x2] =	wrdreg s3  }
0xa9: {  	[dreg:$0x3] =	wrdreg s5  }
0xaa: {  	[dreg:$0x4] =	wrdreg $0xC0  }
0xab: {  	_ =	task [dreg:s7], $0x5FFFF  }
0xac: {  	[dreg:$0x1] =	wrdreg $0xFFFFFFFF  }
0xad: {  	[dreg:$0x0] =	wrdreg $0x60  }
0xae: {  	[dreg:$0x2] =	wrdreg s24  }
0xaf: {  	[dreg:$0x3] =	wrdreg s2  }
0xb0: {  	[dreg:$0x4] =	wrdreg $0x70000  }
0xb1: {  	[dreg:$0x5] =	wrdreg $0x9  }
0xb2: {  	_ =	task.clear_ibuf [dreg:s7], $0x6FFFF;
	_ =	strace $0x9000004C  }
0xb3: {  	s29 =	simm.s32 $0x9;
	_ =	strace $0x8000004E  }
0xb4: {  	_ =	swait.ge [sflag:s29], $0x1  }
0xb5: {  	[sflag:s29] =	ssyncadd.s32 $0xFFFFFFFF  }
0xb6: {  	_ =	strace $0x9000004E  }
0xb7: {  	_ =	sfence  }
0xb8: {  	s30 =	sld [smem:$0x0];
	_ =	sdelay $0x2  }
0xb9: {  	s31 =	sshll.u32 s1, $0xD;
	s1 =	sshrl.u32 s1, $0x2  }
0xba: {  	s3 =	sand.u32 $0x4000, s31;
	s1 =	sadd.s32 s1, s30  }
0xbb: {  	s0 =	sor.u32 s3, s0;
	s1 =	sshll.u32 s1, $0x11  }
0xbc: {  	s0 =	sor.u32 s1, s0  }
0xbd: {  	s0 =	sadd.s32 $0x8F2B, s0  }
0xbe: {  	[sflag:s0] =	ssyncadd.remote.s32 $0x1  }
0xbf: {  	_ =	sfence.sel $0xFFFF  }
0xc0: {  	[dreg:$0x0] =	wrdreg $0xFFFFFFFF;
	(pc) =	sbr.abs _section_cstart, $3  }
0xc1: {  	[dreg:$0x1] =	wrdreg $0xFFFFFFFF  }
0xc2: {  	_ =	task.clear_ibuf [dreg:s7], $0x2FFFF;
	_ =	strace $0x9FFFFFFF  }
0xc3: {  	(tm) =	ssettm $0x7FFFFFFF  }
tec
execute0_lowered:
.L_overlay_start_1:
0x0: {  	(tag) =	ssettag $0x1  }
0x1: {  	s7 =	rddreg [dreg:$0x0]  }
0x2: {  	s2 =	rddreg [dreg:$0x1];
	s0 =	srdreg.scid  }
0x3: {  	s3 =	rddreg [dreg:$0x2];
	s1 =	stileid.u32  }
0x4: {  	s4 =	simm.s32 $0x0;
	s13 =	simm.s32 $0x3;
	s14 =	simm.s32 $0x1000  }
0x5: {  	s15 =	simm.s32 $0x50;
	s16 =	simm.s32 $0x4800;
	s17 =	simm.s32 $0x1  }
0x6: {  	s18 =	simm.s32 $0x2;
	s8 =	sand.u32 $0x1, s0;
	s0 =	rddreg [dreg:$0x3]  }
0x7: {  	s19 =	simm.s32 $0x1C00;
	s9 =	smul.u32 $0x2800, s1;
	[smem:$0x7FF] =	sst s4  }
0x8: {  	s5 =	sadd.s32 $0x2A00, s7;
	s29 =	smul.u32 $0xA000, s1;
	s30 =	sshll.u32 s1, $0x1  }
0x9: {  	s12 =	ssub.s32 $0x8C, s1;
	s6 =	smul.u32 $0x140000, s8;
	s10 =	ssub.s32 $0x2, s8  }
0xa: {  	_ =	strace $0x8000004D;
	s8 =	sor.u32 s8, s30;
	s28 =	sshrl.u32 s10, $0x1  }
0xb: {  	s31 =	sshrl.u32 s29, $0x2;
	s8 =	smul.u32 $0x5000, s8;
	s9 =	sor.u32 s9, s6  }
0xc: {  	s6 =	sadd.s32 $0x52400, s7;
	s10 =	ssub.s32 s10, s28;
	s9 =	sshrl.u32 s9, $0x3  }
0xd: {  	s11 =	sadd.s32 s9, s7;
	s7 =	sshrl.u32 s12, $0x4;
	s9 =	smax.u32 s10, $0x1  }
0xe: {  	v0 =	vimm.f32 $0.0e+00;
	s10 =	sadd.s32 s31, s3;
	s12 =	simm.s32 $0x2000;
	s11 =	sadd.s32 $0x66400, s11  }
.LBB2_1:
0xf: {  	s20 =	simm.s32 $0x70;
	s21 =	simm.s32 $0x3C0  }
.LBB2_2:
0x10: {  	p0 =	sne.s32 s21, $0x9FC0;
	[tilespmem:s20+$0x2000] =	vst v0  }
0x11: {  	[tilespmem:s20+$0x1F90] =	vst v0  }
0x12: {  	[tilespmem:s20+$0x1FA0] =	vst v0  }
.Ltmp0:
0x13: {  	[tilespmem:s20+$0x1FB0] =	vst v0;
	(pc) =	sbr.rel @p0 .LBB2_2-.Ltmp0, $4  }
0x14: {  	[tilespmem:s20+$0x1FC0] =	vst v0  }
0x15: {  	[tilespmem:s20+$0x1FD0] =	vst v0  }
0x16: {  	[tilespmem:s20+$0x1FE0] =	vst v0  }
0x17: {  	[tilespmem:s20+$0x1FF0] =	vst v0;
	s20 =	sshra.s32 s21, $0x2;
	s21 =	sadd.s32 $0x200, s21  }
0x18: {  	[tilespmem:s20+$0x2000] =	vst v0  }
0x19: {  	[tilespmem:s20+$0x1F90] =	vst v0  }
0x1a: {  	[tilespmem:s20+$0x1FA0] =	vst v0  }
0x1b: {  	[tilespmem:s20+$0x1FB0] =	vst v0  }
0x1c: {  	[tilespmem:s20+$0x1FC0] =	vst v0  }
0x1d: {  	[tilespmem:s20+$0x1FD0] =	vst v0;
	p0 =	sne.s32 s7, $0x1  }
.Ltmp1:
0x1e: {  	[tilespmem:s20+$0x1FE0] =	vst v0;
	(pc) =	sbr.rel @!p0 .LBB2_5-.Ltmp1, $4  }
0x1f: {  	[tilespmem:s20+$0x1FF0] =	vst v0  }
0x20: {  	[spmem:s10] =	stream.linear.scatter [tilespmem:s12], [sflag:$0x3], $0x2800, $0x38;
	[tilespmem:$0x1A880] =	vst v63  }
0x21: {  	_ =	swait.ge [sflag:s13], $0x2800  }
0x22: {  	s20 =	sadd.s32 $0xFFFFFFFF, s7;
	s21 =	smov.u32 s10;
	[sflag:s13] =	ssyncset.done $0x0  }
.LBB2_4:
0x23: {  	p1 =	sne.s32 s20, $0x1;
	[sflag:s13] =	ssyncadd.s32 $0xFFFFD800;
	s21 =	sadd.s32 $0x28000, s21  }
.Ltmp2:
0x24: {  	s20 =	sadd.s32 $0xFFFFFFFF, s20;
	(pc) =	sbr.rel @p1 .LBB2_4-.Ltmp2, $4  }
0x25: {  	_ = 	snop  }
0x26: {  	[spmem:s21] =	stream.linear.scatter [tilespmem:s12], [sflag:$0x3], $0x2800, $0x38;
	[tilespmem:$0x1A880] =	vst v63  }
0x27: {  	_ =	swait.ge [sflag:s13], $0x2800  }
0x28: {  	[sflag:s13] =	ssyncset.done $0x0  }
.LBB2_5:
0x29: {  	[sflag:s13] =	ssyncadd.s32 $0xFFFFD800  }
0x2a: {  	s20 =	simm.s32 $0x0;
	s21 =	simm.s32 $0x0;
	[bflag:$0x0] =	sbarrier.arrive $0xFFFF  }
.LBB2_6:
0x2b: {  	s22 =	sshll.u32 s21, $0xC  }
0x2c: {  	s22 =	sadd.s32 s8, s22  }
0x2d: {  	s22 =	sshrl.u32 s22, $0x3  }
0x2e: {  	s23 =	sadd.s32 s2, s22  }
0x2f: {  	[tilespmem:s20], [sflag:$0x3] =	stream.linear.gather [hbm4b:s23+s20], $0xC80, $0x38;
	[tilespmem:$0x1A880] =	vst v63  }
0x30: {  	_ =	swait.ge [sflag:s13], $0xC80  }
0x31: {  	[sflag:s13] =	ssyncset.done $0x0  }
0x32: {  	s22 =	sadd.s32 s6, s22;
	[sflag:s13] =	ssyncadd.s32 $0xFFFFF380  }
0x33: {  	[tilespmem:s14], [sflag:$0x3] =	stream.linear.gather [hbm4b:s22+s20], $0xC80, $0x38;
	[tilespmem:$0x1A880] =	vst v63  }
0x34: {  	_ =	swait.ge [sflag:s13], $0xC80  }
0x35: {  	[sflag:s13] =	ssyncset.done $0x0  }
0x36: {  	[sflag:s13] =	ssyncadd.s32 $0xFFFFF380  }
0x37: {  	[tilespmem:s12], [sflag:$0x1] =	stream.indirect.gather [hbm4b:s5+s15], $0x80, s20, s15, $0xb8;
	[tilespmem:$0x1A880] =	vst v63  }
0x38: {  	s28 =	simm.s32 $0x80  }
0x39: {  	[tilespmem:s16], [sflag:$0x2] =	stream.indirect.gather [hbm4b:s5+s15], $0x80, s28, s15, $0xb8;
	[tilespmem:$0x1A880] =	vst v63  }
0x3a: {  	_ =	swait.ge [sflag:s17], $0x2800  }
0x3b: {  	[sflag:s17] =	ssyncset.done $0x0  }
0x3c: {  	s29 =	simm.s32 $0x1000;
	[sflag:s17] =	ssyncadd.s32 $0xFFFFD800  }
0x3d: {  	[spmem:s3] =	stream.indirect.scatter.add.f32 [tilespmem:s12], [sflag:$0x3], $0x80, s29, s15, $0xb8;
	[tilespmem:$0x1A880] =	vst v63  }
0x3e: {  	_ =	swait.ge [sflag:s13], $0x2800  }
0x3f: {  	[sflag:s13] =	ssyncset.done $0x0  }
0x40: {  	s30 =	simm.s32 $0x100;
	[sflag:s13] =	ssyncadd.s32 $0xFFFFD800  }
0x41: {  	[tilespmem:s12], [sflag:$0x1] =	stream.indirect.gather [hbm4b:s5+s15], $0x80, s30, s15, $0xb8;
	[tilespmem:$0x1A880] =	vst v63  }
0x42: {  	_ =	swait.ge [sflag:s18], $0x2800  }
0x43: {  	[sflag:s18] =	ssyncset.done $0x0  }
0x44: {  	s31 =	simm.s32 $0x1080;
	[sflag:s18] =	ssyncadd.s32 $0xFFFFD800  }
0x45: {  	[spmem:s3] =	stream.indirect.scatter.add.f32 [tilespmem:s16], [sflag:$0x3], $0x80, s31, s15, $0xb8;
	[tilespmem:$0x1A880] =	vst v63  }
0x46: {  	_ =	swait.ge [sflag:s13], $0x2800  }
0x47: {  	s23 =	simm.s32 $0x800;
	s22 =	simm.s32 $0x100;
	[sflag:s13] =	ssyncset.done $0x0  }
.LBB2_7:
0x48: {  	s24 =	sadd.s32 $0x80, s22  }
0x49: {  	[sflag:s13] =	ssyncadd.s32 $0xFFFFD800;
	s25 =	smov.u32 s23;
	s26 =	sadd.s32 $0x400, s23  }
0x4a: {  	[tilespmem:s16], [sflag:$0x2] =	stream.indirect.gather [hbm4b:s5+s15], $0x80, s24, s15, $0xb8;
	[tilespmem:$0x1A880] =	vst v63  }
0x4b: {  	p1 =	sne.s32 s23, $0x2C00;
	_ =	swait.ge [sflag:s17], $0x2800  }
0x4c: {  	[sflag:s17] =	ssyncset.done $0x0  }
0x4d: {  	s23 =	sadd.s32 $0x1000, s22;
	[sflag:s17] =	ssyncadd.s32 $0xFFFFD800  }
0x4e: {  	[spmem:s3] =	stream.indirect.scatter.add.f32 [tilespmem:s12], [sflag:$0x3], $0x80, s23, s15, $0xb8;
	[tilespmem:$0x1A880] =	vst v63  }
0x4f: {  	_ =	swait.ge [sflag:s13], $0x2800  }
0x50: {  	[sflag:s13] =	ssyncset.done $0x0  }
0x51: {  	s23 =	sadd.s32 $0x100, s22;
	[sflag:s13] =	ssyncadd.s32 $0xFFFFD800  }
0x52: {  	[tilespmem:s12], [sflag:$0x1] =	stream.indirect.gather [hbm4b:s5+s15], $0x80, s23, s15, $0xb8;
	[tilespmem:$0x1A880] =	vst v63  }
0x53: {  	_ =	swait.ge [sflag:s18], $0x2800  }
.Ltmp3:
0x54: {  	[sflag:s18] =	ssyncset.done $0x0;
	(pc) =	sbr.rel @p1 .LBB2_7-.Ltmp3, $4  }
0x55: {  	s22 =	sadd.s32 $0x1080, s22;
	[sflag:s18] =	ssyncadd.s32 $0xFFFFD800  }
0x56: {  	[spmem:s3] =	stream.indirect.scatter.add.f32 [tilespmem:s16], [sflag:$0x3], $0x80, s22, s15, $0xb8;
	[tilespmem:$0x1A880] =	vst v63  }
0x57: {  	_ =	swait.ge [sflag:s13], $0x2800  }
0x58: {  	s23 =	smov.u32 s26;
	s22 =	sshra.s32 s25, $0x2;
	[sflag:s13] =	ssyncset.done $0x0  }
0x59: {  	s23 =	sadd.s32 $0x80, s22;
	[sflag:s13] =	ssyncadd.s32 $0xFFFFD800  }
0x5a: {  	[tilespmem:s16], [sflag:$0x2] =	stream.indirect.gather [hbm4b:s5+s15], $0x80, s23, s15, $0xb8;
	[tilespmem:$0x1A880] =	vst v63  }
0x5b: {  	_ =	swait.ge [sflag:s17], $0x2800  }
0x5c: {  	[sflag:s17] =	ssyncset.done $0x0  }
0x5d: {  	s29 =	sadd.s32 $0x1000, s22;
	[sflag:s17] =	ssyncadd.s32 $0xFFFFD800  }
0x5e: {  	[spmem:s3] =	stream.indirect.scatter.add.f32 [tilespmem:s12], [sflag:$0x3], $0x80, s29, s15, $0xb8;
	[tilespmem:$0x1A880] =	vst v63  }
0x5f: {  	_ =	swait.ge [sflag:s13], $0x2800  }
0x60: {  	[sflag:s13] =	ssyncset.done $0x0  }
0x61: {  	s30 =	sadd.s32 $0x100, s22;
	[sflag:s13] =	ssyncadd.s32 $0xFFFFD800  }
0x62: {  	[tilespmem:s12], [sflag:$0x1] =	stream.indirect.gather [hbm4b:s5+s15], $0x80, s30, s15, $0xb8;
	[tilespmem:$0x1A880] =	vst v63  }
0x63: {  	_ =	swait.ge [sflag:s18], $0x2800  }
0x64: {  	[sflag:s18] =	ssyncset.done $0x0  }
0x65: {  	s31 =	sadd.s32 $0x1080, s22;
	[sflag:s18] =	ssyncadd.s32 $0xFFFFD800  }
0x66: {  	[spmem:s3] =	stream.indirect.scatter.add.f32 [tilespmem:s16], [sflag:$0x3], $0x80, s31, s15, $0xb8;
	[tilespmem:$0x1A880] =	vst v63  }
0x67: {  	_ =	swait.ge [sflag:s13], $0x2800  }
0x68: {  	[sflag:s13] =	ssyncset.done $0x0  }
0x69: {  	[sflag:s13] =	ssyncadd.s32 $0xFFFFD800  }
0x6a: {  	s21 =	sadd.s32 $0x1, s21;
	_ =	swait.ge [sflag:s17], $0x2800  }
0x6b: {  	p1 =	sne.s32 s21, $0x5;
	[sflag:s17] =	ssyncset.done $0x0  }
.Ltmp4:
0x6c: {  	[sflag:s17] =	ssyncadd.s32 $0xFFFFD800;
	(pc) =	sbr.rel @p1 .LBB2_6-.Ltmp4, $4  }
0x6d: {  	[spmem:s3] =	stream.indirect.scatter.add.f32 [tilespmem:s12], [sflag:$0x3], $0x80, s19, s15, $0xb8;
	[tilespmem:$0x1A880] =	vst v63  }
0x6e: {  	_ =	swait.ge [sflag:s13], $0x2800  }
0x6f: {  	[sflag:s13] =	ssyncset.done $0x0  }
0x70: {  	[sflag:s13] =	ssyncadd.s32 $0xFFFFD800  }
.Ltmp5:
0x71: {  	(pc) =	sbr.rel @!p0 .LBB2_11-.Ltmp5, $4  }
0x72: {  	s20 =	sshll.u32 s1, $0x6;
	[bflag:$0x0] =	sbarrier.arrive $0xFFFF  }
0x73: {  	s21 =	sshrl.u32 s10, $0x3;
	s22 =	sadd.s32 $0x5000, s11;
	s20 =	sor.u32 $0x1C03, s20  }
0x74: {  	[hbm:s11], [sflag:s20] =	dma.local [spmem:s21], $0x500  }
0x75: {  	s23 =	smov.u32 s10;
	s21 =	sadd.s32 $0xFFFFFFFF, s7;
	_ =	swait.ge [sflag:s13], $0x500  }
.LBB2_10:
0x76: {  	[sflag:s13] =	ssyncset.done $0x0;
	s23 =	sadd.s32 $0x28000, s23;
	p0 =	sne.s32 s21, $0x1  }
.Ltmp6:
0x77: {  	s24 =	sshrl.u32 s23, $0x3;
	[sflag:s13] =	ssyncadd.s32 $0xFFFFFB00;
	(pc) =	sbr.rel @p0 .LBB2_10-.Ltmp6, $3  }
0x78: {  	[hbm:s22], [sflag:s20] =	dma.local [spmem:s24], $0x500  }
0x79: {  	s21 =	sadd.s32 $0xFFFFFFFF, s21;
	_ =	sdelay $0x1  }
0x7a: {  	s22 =	sadd.s32 $0x5000, s22;
	_ =	swait.ge [sflag:s13], $0x500  }
.LBB2_11:
0x7b: {  	s4 =	sadd.s32 $0x1, s4  }
0x7c: {  	p0 =	sne.s32 s4, s9  }
.Ltmp7:
0x7d: {  	_ = 	snop;
	(pc) =	sbr.rel @p0 .LBB2_1-.Ltmp7, $3  }
0x7e: {  	_ =	sdelay $0x1  }
0x7f: {  	[sflag:s13] =	ssyncset.done $0x0  }
0x80: {  	[sflag:s13] =	ssyncadd.s32 $0xFFFFFB00  }
0x81: {  	_ =	sfence.sel $0x180000  }
0x82: {  	[bflag:$0x0] =	sbarrier.arrive $0xFFFF  }
0x83: {  	p0 =	sne.s32 s1, $0x0;
	_ =	strace $0x9000004D  }
0x84: {  	s0 =	sadd.s32 @!p0 $0x100000, s0;
	[bflag:$0x2] =	sbarrier.arrive $0xFFFF  }
0x85: {  	[sflag:s0] =	ssyncadd.tile.s32 @!p0 $0x1;
	_ =	shalt  }
.Lfunc_end2:
_tile_overlayer_lowered:
.L_overlay_start_2:
0x86: {  	(tag) =	ssettag $0x2  }
0x87: {  	s0 =	rddreg [dreg:$0x0];
	s2 =	stileid.u32  }
0x88: {  	s1 =	rddreg [dreg:$0x1];
	p0 =	sne.s32 s2, $0x0  }
0x89: {  	s3 =	rddreg [dreg:$0x2];
	[bflag:$0x3] =	sbarrier.arrive $0xFFFF;
	s2 =	simm.s32 @!p0 $0x1C03  }
0x8a: {  	[timem:s3], [sflag:s2] =	dma.local @!p0 [hbm:s0], s1  }
0x8b: {  	s0 =	simm.s32 @!p0 $0x3  }
0x8c: {  	_ =	swait.ge @!p0 [sflag:s0], s1  }
0x8d: {  	s1 =	ssub.s32 @!p0 $0x0, s1;
	[sflag:s0] =	ssyncset.done @!p0 $0x0  }
0x8e: {  	[sflag:s0] =	ssyncadd.s32 @!p0 s1  }
0x8f: {  	[bflag:$0x3] =	sbarrier.arrive $0xFFFF  }
0x90: {  	_ =	shalt  }

// kernel: kernel.8.cloned.1.call-start
scs
__scs_entry_jumppad:
0x0: {  	(pc) =	sbr.rel $0x88, $3  }
0x1: {  	(tag) =	ssettag $0x0;
	lr =	simm.s32 $0x1  }
0x2: {  	[smem:$0x3F99] =	sst lr;
	_ =	strace $0xD0000000  }
0x3: {  	_ = 	snop  }
0x4: {  	_ = 	snop  }
0x5: {  	_ = 	snop  }
0x6: {  	_ = 	snop  }
0x7: {  	_ = 	snop  }
__scs_overlays_trampoline_lowered:
0x8: {  	[smem:$0x3FA8] =	sst s0  }
0x9: {  	[smem:$0x3FA9] =	sst s1  }
0xa: {  	[smem:$0x3FAA] =	sst s2  }
0xb: {  	[smem:$0x3FAB] =	sst s3  }
0xc: {  	[smem:$0x3FAC] =	sst s4  }
0xd: {  	[smem:$0x3FAD] =	sst s5  }
0xe: {  	[smem:$0x3FAE] =	sst s6  }
0xf: {  	[smem:$0x3FAF] =	sst s7  }
0x10: {  	[smem:$0x3FB0] =	sst s8  }
0x11: {  	[smem:$0x3FB1] =	sst s9;
	s0 =	simm.s32 @!p0 $0x0  }
0x12: {  	s1 =	sld [smem:$0x3F97];
	s0 =	simm.s32 @p0 $0x1  }
0x13: {  	[smem:$0x3FB2] =	sst s0;
	s0 =	simm.s32 @!p1 $0x0  }
0x14: {  	s2 =	sld [smem:$0x3F96];
	s0 =	simm.s32 @p1 $0x1  }
0x15: {  	[smem:$0x3FB3] =	sst s0;
	s0 =	simm.s32 @!p2 $0x0  }
0x16: {  	s3 =	sld [smem:$0x3FDB];
	s0 =	simm.s32 @p2 $0x1  }
0x17: {  	s4 =	simm.s32 $0x1BF5;
	[smem:$0x3FB5] =	sst s0  }
0x18: {  	s0 =	sld [smem:$0x3F98];
	_ =	swait.ge [sflag:s4], $0x0  }
0x19: {  	s7 =	sld [smem:$0x3F99]  }
0x1a: {  	s8 =	sadd.s32 $0xFFFFE003, lr  }
0x1b: {  	s9 =	sadd.s32 $0xFFFFFEF7, lr;
	s5 =	simm.s32 $0xFFFFFFFF;
	p2 =	slt.u32 s8, $0xFFFFF086  }
0x1c: {  	p1 =	slt.u32 s9, $0xF7A;
	s5 =	simm.s32 @!p2 $0x0  }
0x1d: {  	s5 =	simm.s32 @p1 $0x1;
	p0 =	seq.s32 s7, s2  }
0x1e: {  	s7 =	smul.u32 @!p0 $0xF7A, s2;
	p2 =	seq.s32 @!p0 s5, $0x0  }
0x1f: {  	s9 =	smul.u32 $0xF7A, s1;
	s8 =	simm.s32 @!p0 $0x1BF5;
	p2 =	por !p2, p0  }
0x20: {  	[sflag:s8] =	ssyncset.s32 @!p0 $0xFFFFF086;
	s6 =	sadd.s32 @!p0 s3, s7;
	s7 =	simm.s32 @!p0 $0x108  }
0x21: {  	s3 =	sadd.s32 s3, s9;
	s6 =	sadd.s32 @!p0 $0x88, s6;
	s7 =	simm.s32 @p2 $0x1082  }
0x22: {  	[simem:s7], [sflag:s8] =	dma.local @!p0 [hbm:s6], $0xF7A  }
0x23: {  	s9 =	sor.u32 $0xD0000000, s2;
	s6 =	simm.s32 $0x108;
	_ =	swait.ge @!p0 [sflag:s8], $0x0  }
0x24: {  	s3 =	sadd.s32 $0x88, s3;
	s6 =	simm.s32 @!p1 $0x1082;
	[sflag:s4] =	ssyncset.s32 $0xFFFFF086  }
0x25: {  	[simem:s6], [sflag:s4] =	dma.local [hbm:s3], $0xF7A  }
0x26: {  	[smem:$0x3F99] =	sst s1;
	(tag) =	ssettag s2;
	_ =	strace s9  }
0x27: {  	s1 =	sld [smem:$0x3FA9]  }
0x28: {  	s2 =	sld [smem:$0x3FAA]  }
0x29: {  	s4 =	sld [smem:$0x3FAC]  }
0x2a: {  	p0 =	seq.s32 s5, $0x0;
	s5 =	sld [smem:$0x3FAD]  }
0x2b: {  	s6 =	sld [smem:$0x3FAE]  }
0x2c: {  	s7 =	sld [smem:$0x3FAF]  }
0x2d: {  	s3 =	simm.s32 $0x108;
	s8 =	sld [smem:$0x3FB0]  }
0x2e: {  	s3 =	simm.s32 @!p0 $0x1082;
	s9 =	sld [smem:$0x3FB1]  }
0x2f: {  	lr =	sadd.s32 s0, s3;
	s0 =	sld [smem:$0x3FA8]  }
0x30: {  	s3 =	sld [smem:$0x3FAB]  }
0x31: {  	[smem:$0x3FB4] =	sst s10  }
0x32: {  	s10 =	sld [smem:$0x3FB2];
	_ =	sdelay $0x3  }
0x33: {  	p0 =	seq.s32 s10, $0x1;
	s10 =	sld [smem:$0x3FB4];
	_ =	sdelay $0x3  }
0x34: {  	[smem:$0x3FB4] =	sst s10  }
0x35: {  	s10 =	sld [smem:$0x3FB3];
	_ =	sdelay $0x3  }
0x36: {  	p1 =	seq.s32 s10, $0x1;
	s10 =	sld [smem:$0x3FB4];
	_ =	sdelay $0x3  }
0x37: {  	[smem:$0x3FB4] =	sst s10  }
0x38: {  	s10 =	sld [smem:$0x3FB5]  }
0x39: {  	_ = 	snop;
	(pc) =	sbr.ind lr, $3  }
0x3a: {  	_ = 	snop  }
0x3b: {  	_ = 	snop  }
0x3c: {  	p2 =	seq.s32 s10, $0x1;
	s10 =	sld [smem:$0x3FB4]  }
0x3d: {  	_ =	shalt  }
0x3e: {  	_ =	shalt  }
0x3f: {  	_ =	shalt  }
0x40: {  	_ =	shalt  }
0x41: {  	_ =	shalt  }
0x42: {  	_ =	shalt  }
0x43: {  	_ =	shalt  }
0x44: {  	_ =	shalt  }
0x45: {  	_ =	shalt  }
0x46: {  	_ =	shalt  }
0x47: {  	_ =	shalt  }
0x48: {  	_ =	shalt  }
0x49: {  	_ =	shalt  }
0x4a: {  	_ =	shalt  }
0x4b: {  	_ =	shalt  }
0x4c: {  	_ =	shalt  }
0x4d: {  	_ =	shalt  }
0x4e: {  	_ =	shalt  }
0x4f: {  	_ =	shalt  }
0x50: {  	_ =	shalt  }
0x51: {  	_ =	shalt  }
0x52: {  	_ =	shalt  }
0x53: {  	_ =	shalt  }
0x54: {  	_ =	shalt  }
0x55: {  	_ =	shalt  }
0x56: {  	_ =	shalt  }
0x57: {  	_ =	shalt  }
0x58: {  	_ =	shalt  }
0x59: {  	_ =	shalt  }
0x5a: {  	_ =	shalt  }
0x5b: {  	_ =	shalt  }
0x5c: {  	_ =	shalt  }
0x5d: {  	_ =	shalt  }
0x5e: {  	_ =	shalt  }
0x5f: {  	_ =	shalt  }
0x60: {  	_ =	shalt  }
0x61: {  	_ =	shalt  }
0x62: {  	_ =	shalt  }
0x63: {  	_ =	shalt  }
0x64: {  	_ =	shalt  }
0x65: {  	_ =	shalt  }
0x66: {  	_ =	shalt  }
0x67: {  	_ =	shalt  }
0x68: {  	_ =	shalt  }
0x69: {  	_ =	shalt  }
0x6a: {  	_ =	shalt  }
0x6b: {  	_ =	shalt  }
0x6c: {  	_ =	shalt  }
0x6d: {  	_ =	shalt  }
0x6e: {  	_ =	shalt  }
0x6f: {  	_ =	shalt  }
0x70: {  	_ =	shalt  }
0x71: {  	_ =	shalt  }
0x72: {  	_ =	shalt  }
0x73: {  	_ =	shalt  }
0x74: {  	_ =	shalt  }
0x75: {  	_ =	shalt  }
0x76: {  	_ =	shalt  }
0x77: {  	_ =	shalt  }
0x78: {  	_ =	shalt  }
0x79: {  	_ =	shalt  }
0x7a: {  	_ =	shalt  }
0x7b: {  	_ =	shalt  }
0x7c: {  	_ =	shalt  }
0x7d: {  	_ =	shalt  }
0x7e: {  	_ =	shalt  }
0x7f: {  	_ =	shalt  }
0x80: {  	_ =	shalt  }
0x81: {  	_ =	shalt  }
0x82: {  	_ =	shalt  }
0x83: {  	_ =	shalt  }
0x84: {  	_ =	shalt  }
0x85: {  	_ =	shalt  }
0x86: {  	_ =	shalt  }
0x87: {  	_ =	shalt  }
.Lfunc_end0:
.L_simem_size_0:
called_computation_lowered:
.L_overlay_start_0:
0x88: {  	s2 =	sld [smem:$0x3FD9]  }
0x89: {  	s3 =	sld [smem:$0x3FFE];
	_ =	sdelay $0x1  }
0x8a: {  	s1 =	srdreg.scid  }
0x8b: {  	s0 =	sand.u32 $0x1, s1  }
0x8c: {  	s16 =	sshll.u32 s0, $0xA;
	s2 =	sadd.s32 s3, s2  }
0x8d: {  	s2 =	sadd.s32 s2, s16  }
0x8e: {  	[smem:$0x3FC0] =	sst s2  }
0x8f: {  	_ = 	snop  }
0x90: {  	(tm) =	ssettm $0x1  }
0x91: {  	s17 =	sld [smem:$0x3FFB];
	_ =	sdelay $0x3  }
0x92: {  	_ =	strace s17  }
0x93: {  	s2 =	sld [smem:$0x3FFC];
	_ =	sdelay $0x3  }
0x94: {  	_ =	strace s2  }
0x95: {  	s2 =	sld [smem:$0x3FFD];
	_ =	sdelay $0x3  }
0x96: {  	_ =	strace s2  }
0x97: {  	_ =	strace $0x8FFFFFFF  }
0x98: {  	s18 =	sld [smem:$0x3FDB];
	_ =	sdelay $0x1  }
0x99: {  	s19 =	simm.s32 $_scs_section_size  }
0x9a: {  	s4 =	simm.s32 $_size__tile_overlayer_lowered;
	s5 =	simm.s32 $_tile_overlayer_lowered  }
0x9b: {  	s22 =	simm.s32 $0x1BFF;
	s21 =	sshll.u32 s5, $0x1;
	s2 =	sadd.s32 s19, s18  }
0x9c: {  	s6 =	simm.s32 $0x0;
	s20 =	sshll.u32 s4, $0x1;
	s4 =	sadd.s32 s21, s2  }
0x9d: {  	[timem:s6], [sflag:s22] =	dma.local [hbm:s4], s20  }
0x9e: {  	_ =	swait.ge [sflag:s22], s20  }
0x9f: {  	s3 =	ssub.s32 $0x0, s20;
	[sflag:s22] =	ssyncset.done $0x0  }
0xa0: {  	[sflag:s22] =	ssyncadd.s32 s3;
	_ =	sdelay $0x1  }
0xa1: {  	s23 =	simm.s32 $0x1B8B  }
0xa2: {  	_ =	swait.ge [sflag:s23], $0x1  }
0xa3: {  	[sflag:s23] =	ssyncset.done $0x0  }
0xa4: {  	s25 =	simm.s32 $0x1B8E;
	s24 =	sld [smem:$0x3FFE];
	[sflag:s23] =	ssyncadd.s32 $0xFFFFFFFF  }
0xa5: {  	s26 =	simm.s32 $execute0_lowered;
	[smem:$0x3FD2] =	sst s25  }
0xa6: {  	s4 =	sshll.u32 s26, $0x1;
	_ =	strace $0x80000046;
	[dreg:$0x1] =	wrdreg $0xFFFFFFFF  }
0xa7: {  	s28 =	simm.s32 $_size_execute0_lowered;
	s2 =	sadd.s32 s2, s4;
	[dreg:$0x0] =	wrdreg $0x0  }
0xa8: {  	s4 =	sshll.u32 s28, $0x1;
	[dreg:$0x2] =	wrdreg s2  }
0xa9: {  	[dreg:$0x3] =	wrdreg s4  }
0xaa: {  	[dreg:$0x4] =	wrdreg $0xC0  }
0xab: {  	_ =	task [dreg:s6], $0x5FFFF  }
0xac: {  	[dreg:$0x1] =	wrdreg $0xFFFFFFFF  }
0xad: {  	[dreg:$0x0] =	wrdreg $0x60  }
0xae: {  	[dreg:$0x2] =	wrdreg s24  }
0xaf: {  	[dreg:$0x3] =	wrdreg $0x164800  }
0xb0: {  	[dreg:$0x4] =	wrdreg $0x9  }
0xb1: {  	_ =	task.clear_ibuf [dreg:s6], $0x5FFFF;
	_ =	strace $0x90000046  }
0xb2: {  	s29 =	simm.s32 $0x9;
	_ =	strace $0x80000048  }
0xb3: {  	_ =	swait.ge [sflag:s29], $0x1  }
0xb4: {  	[sflag:s29] =	ssyncadd.s32 $0xFFFFFFFF  }
0xb5: {  	_ =	strace $0x90000048  }
0xb6: {  	_ =	sfence  }
0xb7: {  	s30 =	sld [smem:$0x0];
	_ =	sdelay $0x2  }
0xb8: {  	s31 =	sshll.u32 s1, $0xD;
	s1 =	sshrl.u32 s1, $0x2  }
0xb9: {  	s3 =	sand.u32 $0x4000, s31;
	s1 =	sadd.s32 s1, s30  }
0xba: {  	s0 =	sor.u32 s3, s0;
	s1 =	sshll.u32 s1, $0x11  }
0xbb: {  	s0 =	sor.u32 s1, s0  }
0xbc: {  	s0 =	sadd.s32 $0x8F2B, s0  }
0xbd: {  	[sflag:s0] =	ssyncadd.remote.s32 $0x1  }
0xbe: {  	_ =	sfence.sel $0xFFFF  }
0xbf: {  	[dreg:$0x0] =	wrdreg $0xFFFFFFFF;
	(pc) =	sbr.abs _section_cstart, $3  }
0xc0: {  	[dreg:$0x1] =	wrdreg $0xFFFFFFFF  }
0xc1: {  	_ =	task.clear_ibuf [dreg:s6], $0x2FFFF;
	_ =	strace $0x9FFFFFFF  }
0xc2: {  	(tm) =	ssettm $0x7FFFFFFF  }
0xc3: {  	_ =	shalt  }
tec
execute0_lowered:
.L_overlay_start_1:
0x0: {  	(tag) =	ssettag $0x1  }
0x1: {  	s4 =	rddreg [dreg:$0x0]  }
0x2: {  	s2 =	rddreg [dreg:$0x1];
	s3 =	srdreg.scid  }
0x3: {  	s0 =	rddreg [dreg:$0x2];
	s1 =	stileid.u32;
	s10 =	simm.s32 $0x50  }
0x4: {  	s11 =	simm.s32 $0x16400;
	s5 =	sand.u32 $0x1, s3;
	s3 =	simm.s32 $0x0  }
0x5: {  	s6 =	sshll.u32 s1, $0x1;
	s8 =	sshll.u32 s1, $0xA;
	p0 =	sgt.u32 s1, $0x9  }
0x6: {  	s7 =	smul.u32 $0x2800, s5;
	[smem:$0x7FF] =	sst s3;
	s6 =	sor.u32 s5, s6  }
0x7: {  	s5 =	ssub.s32 $0x2, s5;
	s12 =	sshll.u32 @!p0 s1, $0x6;
	s6 =	smul.u32 $0x2780, s6  }
0x8: {  	_ =	strace $0x80000047;
	s9 =	sshrl.u32 s5, $0x1;
	s7 =	sadd.s32 s8, s7  }
0x9: {  	s12 =	sor.u32 @!p0 $0x1C01, s12;
	s9 =	ssub.s32 s5, s9;
	s7 =	sshrl.u32 s7, $0x3  }
0xa: {  	v0 =	vlaneseq.u32;
	s6 =	sadd.s32 s6, s4;
	s7 =	sadd.s32 s7, s4;
	s4 =	sadd.s32 s8, s2  }
0xb: {  	v1 =	vimm.f32 $0.0e+00;
	v6 =	vimm.f32 $1.000000000e+00;
	v2 =	vor.u32 $0x10, v0;
	s5 =	sadd.s32 $0x2A00, s6;
	s8 =	simm.s32 $0x1;
	s6 =	sadd.s32 $0x51A00, s7  }
0xc: {  	v3 =	vor.u32 $0x20, v0;
	v4 =	vor.u32 $0x30, v0;
	v5 =	vor.u32 $0x40, v0;
	s7 =	smax.u32 s9, $0x1;
	s9 =	simm.s32 $0x13C00;
	s13 =	sshrl.u32 @!p0 s4, $0x3  }
.LBB2_1:
0xd: {  	s14 =	simm.s32 $0x70;
	s15 =	simm.s32 $0x3C0  }
.LBB2_2:
0xe: {  	p1 =	sne.s32 s15, $0x9FC0;
	[tilespmem:s14+$0x13C00] =	vst v1  }
0xf: {  	[tilespmem:s14+$0x13B90] =	vst v1  }
0x10: {  	[tilespmem:s14+$0x13BA0] =	vst v1  }
.Ltmp0:
0x11: {  	[tilespmem:s14+$0x13BB0] =	vst v1;
	(pc) =	sbr.rel @p1 .LBB2_2-.Ltmp0, $4  }
0x12: {  	[tilespmem:s14+$0x13BC0] =	vst v1  }
0x13: {  	[tilespmem:s14+$0x13BD0] =	vst v1  }
0x14: {  	[tilespmem:s14+$0x13BE0] =	vst v1  }
0x15: {  	[tilespmem:s14+$0x13BF0] =	vst v1;
	s14 =	sshra.s32 s15, $0x2;
	s15 =	sadd.s32 $0x200, s15  }
0x16: {  	[tilespmem:s14+$0x13C00] =	vst v1  }
0x17: {  	[tilespmem:s14+$0x13B90] =	vst v1  }
0x18: {  	[tilespmem:s14+$0x13BA0] =	vst v1  }
0x19: {  	[tilespmem:s14+$0x13BB0] =	vst v1  }
0x1a: {  	[tilespmem:s14+$0x13BC0] =	vst v1  }
0x1b: {  	[tilespmem:s14+$0x13BD0] =	vst v1  }
0x1c: {  	[tilespmem:s14+$0x13BE0] =	vst v1  }
0x1d: {  	[tilespmem:s14+$0x13BF0] =	vst v1  }
0x1e: {  	[tilespmem:$0x16400] =	vst v0  }
0x1f: {  	[tilespmem:$0x16410] =	vst v2  }
0x20: {  	[tilespmem:$0x16420] =	vst v3  }
0x21: {  	[tilespmem:$0x16430] =	vst v4  }
0x22: {  	s14 =	simm.s32 @!p0 $0x13C00;
	[tilespmem:$0x16440] =	vst v5  }
0x23: {  	[spmem:s4] =	stream.linear.scatter @!p0 [tilespmem:s14], [sflag:$0x1], $0x400, $0x38;
	[tilespmem:$0x16700] =	vst v63  }
0x24: {  	s14 =	simm.s32 @!p0 $0x1  }
0x25: {  	_ =	swait.ge @!p0 [sflag:s14], $0x400  }
0x26: {  	[sflag:s14] =	ssyncset.done @!p0 $0x0  }
0x27: {  	s31 =	simm.s32 $0x0;
	[sflag:s14] =	ssyncadd.s32 @!p0 $0xFFFFFC00  }
0x28: {  	[tilespmem:s31], [sflag:$0x1] =	stream.linear.gather [hbm4b:s5+s31], $0x13880, $0x38;
	[tilespmem:$0x16700] =	vst v63  }
0x29: {  	_ =	swait.ge [sflag:s8], $0x13880  }
0x2a: {  	[sflag:s8] =	ssyncset.done $0x0  }
0x2b: {  	[sflag:s8] =	ssyncadd.s32 $0xFFFEC780  }
0x2c: {  	s15 =	simm.s32 $0x0;
	s14 =	simm.s32 $0x200;
	[bflag:$0x0] =	sbarrier.arrive $0xFFFF  }
.LBB2_4:
0x2d: {  	p1 =	sne.s32 s14, $0x4E000;
	v7 =	vld [tilespmem:s15+$0x0];
	_ =	sdelay $0x3  }
.Ltmp1:
0x2e: {  	(pc) =	sbr.rel @p1 .LBB2_4-.Ltmp1, $2  }
0x2f: {  	_ =	sdelay $0x2  }
0x30: {  	s15 =	sshra.s32 s14, $0x2;
	s14 =	sadd.s32 $0x200, s14;
	[tilespmem:v7+s9+$0x0] =	vst.idx.add.f32.msk $0xffff, v6  }
0x31: {  	v7 =	vld [tilespmem:s15+$0x0];
	_ =	sdelay $0x7  }
0x32: {  	[tilespmem:v7+s9+$0x0] =	vst.idx.add.f32.msk $0xffff, v6  }
0x33: {  	[spmem:s2] =	stream.indirect.scatter.add.f32 [tilespmem:s9], [sflag:$0x1], $0x80, s11, s10, $0xb8;
	[tilespmem:$0x16700] =	vst v63  }
0x34: {  	_ =	swait.ge [sflag:s8], $0x2800  }
0x35: {  	s3 =	sadd.s32 $0x1, s3;
	[sflag:s8] =	ssyncset.done $0x0  }
0x36: {  	p1 =	sne.s32 s3, s7;
	[sflag:s8] =	ssyncadd.s32 $0xFFFFD800  }
.Ltmp2:
0x37: {  	s14 =	simm.s32 @!p0 $0x1;
	[bflag:$0x0] =	sbarrier.arrive $0xFFFF;
	(pc) =	sbr.rel @p1 .LBB2_1-.Ltmp2, $4  }
0x38: {  	[hbm:s6], [sflag:s12] =	dma.local @!p0 [spmem:s13], $0x80  }
0x39: {  	_ =	swait.ge @!p0 [sflag:s14], $0x80  }
0x3a: {  	[sflag:s14] =	ssyncset.done @!p0 $0x0  }
0x3b: {  	[sflag:s14] =	ssyncadd.s32 @!p0 $0xFFFFFF80  }
0x3c: {  	_ =	sfence.sel $0x180000  }
0x3d: {  	[bflag:$0x0] =	sbarrier.arrive $0xFFFF  }
0x3e: {  	p0 =	sne.s32 s1, $0x0;
	_ =	strace $0x90000047  }
0x3f: {  	s0 =	sadd.s32 @!p0 $0x100000, s0;
	[bflag:$0x2] =	sbarrier.arrive $0xFFFF  }
0x40: {  	[sflag:s0] =	ssyncadd.tile.s32 @!p0 $0x1;
	_ =	shalt  }
.Lfunc_end2:
_tile_overlayer_lowered:
.L_overlay_start_2:
0x41: {  	(tag) =	ssettag $0x2  }
0x42: {  	s0 =	rddreg [dreg:$0x0];
	s2 =	stileid.u32  }
0x43: {  	s1 =	rddreg [dreg:$0x1];
	p0 =	sne.s32 s2, $0x0  }
0x44: {  	s3 =	rddreg [dreg:$0x2];
	[bflag:$0x3] =	sbarrier.arrive $0xFFFF;
	s2 =	simm.s32 @!p0 $0x1C01  }
0x45: {  	[timem:s3], [sflag:s2] =	dma.local @!p0 [hbm:s0], s1  }
0x46: {  	s0 =	simm.s32 @!p0 $0x1  }
0x47: {  	_ =	swait.ge @!p0 [sflag:s0], s1  }
0x48: {  	s1 =	ssub.s32 @!p0 $0x0, s1;
	[sflag:s0] =	ssyncset.done @!p0 $0x0  }
0x49: {  	[sflag:s0] =	ssyncadd.s32 @!p0 s1  }
0x4a: {  	[bflag:$0x3] =	sbarrier.arrive $0xFFFF  }
0x4b: {  	_ =	shalt  }

</sc_bundles>
